<compile_context>
chip_gen: v7x
topology: tpu7x:2x2x1
jax: 0.10.2.dev20260603
libtpu: 0.0.44.dev20260713+nightly
codegen_flags: <defaults>
</compile_context>

<pallas_src>
import functools

import jax
import jax.numpy as jnp
from jax import lax
from jax.experimental import pallas as pl
from jax.experimental.pallas import tpu as pltpu
from jax.experimental.pallas import tpu_sc as plsc

B, L = 1024, 200
T = B * L
HID = 128
INTD = 42
HALF = 64

NC, NS = 2, 16
NW = NC * NS
TPW = T // NW
CHUNK = 128
NCHUNK = TPW // CHUNK

LN_EPS = 1e-6



def _project_body(test_ref, q_ref, tag_ref, tt_ref, w_ref, b_ref,
                  ot_ref, oq_ref, og_ref, ott_ref):
    w = w_ref[...]
    dn = (((1,), (1,)), ((), ()))
    ot_ref[...] = lax.dot_general(test_ref[...], w[:, 0 * INTD:1 * INTD], dn,
                                  preferred_element_type=jnp.float32
                                  ).astype(jnp.bfloat16)
    oq_ref[...] = lax.dot_general(q_ref[...], w[:, 1 * INTD:2 * INTD], dn,
                                  preferred_element_type=jnp.float32
                                  ).astype(jnp.bfloat16)
    og_ref[...] = lax.dot_general(tag_ref[...], w[:, 2 * INTD:3 * INTD], dn,
                                  preferred_element_type=jnp.float32
                                  ).astype(jnp.bfloat16)
    ott_ref[...] = (lax.dot_general(tt_ref[...], w[:, 3 * INTD:4 * INTD], dn,
                                    preferred_element_type=jnp.float32)
                    + b_ref[...]).astype(jnp.bfloat16)


def _project(test_emb, question_emb, tag_emb, testTag_emb, cat_W, cat_b):
    shapes = tuple(
        jax.ShapeDtypeStruct((t.shape[0], HALF), jnp.bfloat16)
        for t in (test_emb, question_emb, tag_emb, testTag_emb))
    return pl.pallas_call(
        _project_body,
        out_shape=shapes,
    )(test_emb, question_emb, tag_emb, testTag_emb, cat_W,
      cat_b.reshape(1, HALF))



NHALFC = NCHUNK // 2


NUMC = 2
NTOK = TPW // NUMC


def _gather_sum_body(it_hbm, iq_hbm, ig_hbm, itt_hbm, af_hbm,
                     tt_hbm, tq_hbm, tg_hbm, ttt_hbm,
                     out_hbm, num8_hbm,
                     iv_t, iv_q, iv_g, iv_tt,
                     sp_t, sp_q, sp_g, sp_tt,
                     a0, a1, a2, a3, oa,
                     b0, b1, b2, b3, ob,
                     av, r0, r1, r2, r3,
                     sga, sgb, soa, sob):
    wid = lax.axis_index("s") * NC + lax.axis_index("c")
    base = wid * TPW
    @pl.when(lax.axis_index("s") == 0)
    def _():
        pltpu.sync_copy(tt_hbm, sp_t)
        pltpu.sync_copy(tq_hbm, sp_q)
        pltpu.sync_copy(tg_hbm, sp_g)
        pltpu.sync_copy(ttt_hbm, sp_tt)

    pltpu.sync_copy(it_hbm.at[wid], iv_t)
    pltpu.sync_copy(iq_hbm.at[wid], iv_q)
    pltpu.sync_copy(ig_hbm.at[wid], iv_g)
    pltpu.sync_copy(itt_hbm.at[wid], iv_tt)
    plsc.subcore_barrier()

    ivs = (iv_t, iv_q, iv_g, iv_tt)
    tabs = (sp_t, sp_q, sp_g, sp_tt)

    zv = jnp.zeros((32,), jnp.bfloat16)

    def zero_g(bufs):
        buf = bufs[0]

        def zbody(k, c):
            for u in range(4):
                buf[k * 4 + u, pl.ds(0, 32)] = zv
                buf[k * 4 + u, pl.ds(32, 32)] = zv
            return c

        lax.fori_loop(0, CHUNK // 4, zbody, 0)

    def fire_g(ci, bufs, sem):
        buf = bufs[0]
        for tab, iv in zip(tabs, ivs):
            pltpu.async_copy(tab.at[iv.at[ci]], buf, sem, add=True)

    def drain_g(ci, bufs, sem):
        buf = bufs[0]
        for tab, iv in zip(tabs, ivs):
            pltpu.make_async_copy(tab.at[iv.at[ci]], buf, sem).wait()

    def do_sum(bufs, o):
        u0 = bufs[0]

        def tok_body(i2, carry2):
            for v in range(2):
              i = i2 * 2 + v
              for t in range(2):
                k = i + t * (CHUNK // 2)
                for j in range(HALF // 32):
                    s = pl.ds(j * 32, 32)
                    acc = u0[k, s]
                    w = plsc.bitcast(acc, jnp.int32)
                    lo = plsc.bitcast(w << 16, jnp.float32)
                    hi = plsc.bitcast(w & jnp.int32(-65536), jnp.float32)
                    o[i, pl.ds(t * HALF + j * 32, 16)] = lo
                    o[i, pl.ds(t * HALF + j * 32 + 16, 16)] = hi
            return carry2

        lax.fori_loop(0, CHUNK // 4, tok_body, 0)

    row0 = wid * (TPW // 2)
    CH2 = CHUNK // 2

    def fire_out(ci, o, sem):
        pltpu.async_copy(o, out_hbm.at[pl.ds(row0 + ci * CH2, CH2)], sem)

    def wait_out(o, sem):
        pltpu.make_async_copy(o, out_hbm.at[pl.ds(row0, CH2)], sem).wait()

    abufs = (a0, a1, a2, a3)
    bbufs = (b0, b1, b2, b3)

    zero_g(abufs)
    fire_g(0, abufs, sga)

    def body(g, carry):
        c0 = 2 * g
        c1 = 2 * g + 1
        zero_g(bbufs)
        fire_g(c1, bbufs, sgb)
        drain_g(c0, abufs, sga)

        @pl.when(g > 0)
        def _():
            wait_out(oa, soa)

        do_sum(abufs, oa)
        fire_out(c0, oa, soa)

        @pl.when(g < NHALFC - 1)
        def _():
            zero_g(abufs)
            fire_g(c0 + 2, abufs, sga)

        drain_g(c1, bbufs, sgb)

        @pl.when(g > 0)
        def _():
            wait_out(ob, sob)

        do_sum(bbufs, ob)
        fire_out(c1, ob, sob)
        return carry

    lax.fori_loop(0, NHALFC, body, 0)
    wait_out(oa, soa)
    wait_out(ob, sob)

    rbufs = (r0, r1, r2, r3)
    lanes = lax.iota(jnp.int32, 16)

    def num_chunk(nc, carry):
        pltpu.sync_copy(
            af_hbm.at[pl.ds(nc * 4 * (T // 2) + wid * 4 * NTOK, 4 * NTOK)], av)

        def vec_body(v, carry2):
            win = av.at[pl.ds(v * 64, 64)]
            for c in range(4):
                idx = lanes * 4 + c
                rbufs[c][pl.ds(v * 16, 16)] = plsc.load_gather(win, [idx])
            return carry2

        lax.fori_loop(0, NTOK // 16, vec_body, 0)
        for c in range(4):
            pltpu.sync_copy(
                rbufs[c],
                num8_hbm.at[4 * nc + c, pl.ds(wid * NTOK, NTOK)])
        return carry

    lax.fori_loop(0, NUMC, num_chunk, 0)


@functools.partial(jax.jit, static_argnums=())
def _gather_sum(it, iq, ig, itt, af, tab_t, tab_q, tab_g, tab_tt):
    mesh = plsc.VectorSubcoreMesh(core_axis_name="c", subcore_axis_name="s")
    row = pltpu.VMEM((CHUNK, HALF), jnp.bfloat16)
    orow = pltpu.VMEM((CHUNK // 2, HID), jnp.float32)
    f = pl.kernel(
        _gather_sum_body,
        out_type=(jax.ShapeDtypeStruct((T // 2, HID), jnp.float32),
                  jax.ShapeDtypeStruct((8, T // 2), jnp.float32)),
        mesh=mesh,
        compiler_params=pltpu.CompilerParams(use_tc_tiling_on_sc=False,
                                             needs_layout_passes=False),
        scratch_types=[
            pltpu.VMEM((NCHUNK, CHUNK), jnp.int32),
            pltpu.VMEM((NCHUNK, CHUNK), jnp.int32),
            pltpu.VMEM((NCHUNK, CHUNK), jnp.int32),
            pltpu.VMEM((NCHUNK, CHUNK), jnp.int32),
            pltpu.VMEM_SHARED(tab_t.shape, jnp.bfloat16),
            pltpu.VMEM_SHARED(tab_q.shape, jnp.bfloat16),
            pltpu.VMEM_SHARED(tab_g.shape, jnp.bfloat16),
            pltpu.VMEM_SHARED(tab_tt.shape, jnp.bfloat16),
            row, row, row, row, orow,
            row, row, row, row, orow,
            pltpu.VMEM((4 * NTOK,), jnp.float32),
            pltpu.VMEM((NTOK,), jnp.float32),
            pltpu.VMEM((NTOK,), jnp.float32),
            pltpu.VMEM((NTOK,), jnp.float32),
            pltpu.VMEM((NTOK,), jnp.float32),
            pltpu.SemaphoreType.DMA,
            pltpu.SemaphoreType.DMA,
            pltpu.SemaphoreType.DMA,
            pltpu.SemaphoreType.DMA,
        ],
    )
    return f(it, iq, ig, itt, af, tab_t, tab_q, tab_g, tab_tt)



TB = 2048
T2 = T // 2


def _dense_body(cat_ref, num_ref, w2_ref, m1_ref, pc_ref, pn_ref,
                eg1_ref, eg2_ref, cb2_ref, nb2_ref, nlnb2_ref,
                ob2_ref, out_ref):
    f32 = jnp.float32
    dn = (((1,), (0,)), ((), ()))

    def mm(a, b):
        return lax.dot_general(a, b, dn, preferred_element_type=f32)

    def ln(x, mask, eg, bias, inv_n):
        s = mm(x, mask) * inv_n
        q = mm(x * x, mask) * inv_n
        r = lax.rsqrt(q - s * s + LN_EPS)
        return x * mm(r, eg) + (mm(-s * r, eg) + bias)

    m1 = m1_ref[...]
    cat = cat_ref[...]
    catn = ln(cat, m1, eg1_ref[...], cb2_ref[...], 1.0 / HALF)

    dn0 = (((0,), (0,)), ((), ()))
    numv = lax.dot_general(num_ref[...], w2_ref[...], dn0,
                           preferred_element_type=f32) + nb2_ref[...]
    numn = ln(numv, m1, eg2_ref[...], nlnb2_ref[...], 1.0 / HALF)

    s3 = (mm(catn, m1) + mm(numn, m1)) * (1.0 / HID)
    q3 = (mm(catn * catn, m1) + mm(numn * numn, m1)) * (1.0 / HID)
    r3 = lax.rsqrt(q3 - s3 * s3 + LN_EPS)
    msr = -s3 * r3
    eg3c = pc_ref[...]
    eg3n = pn_ref[...]
    out_cat = catn * mm(r3, eg3c) + (mm(msr, eg3c) + ob2_ref[0:1, 0:HID])
    out_num = numn * mm(r3, eg3n) + (mm(msr, eg3n) + ob2_ref[0:1, HID:2 * HID])
    out_ref[0, :, 0:HALF] = out_cat[:, 0:HALF]
    out_ref[0, :, HALF:HID] = out_num[:, 0:HALF]
    out_ref[1, :, 0:HALF] = out_cat[:, HALF:HID]
    out_ref[1, :, HALF:HID] = out_num[:, HALF:HID]


def _dense(cat_pre, num8, num_W, num_b,
           cat_ln_g, cat_ln_b, num_ln_g, num_ln_b, out_ln_g, out_ln_b):
    f32 = jnp.float32
    two = lambda a: jnp.concatenate([a, a]).reshape(1, -1)
    w2 = jnp.kron(jnp.eye(2, dtype=f32), num_W.T)
    m1 = jnp.kron(jnp.eye(2, dtype=f32), jnp.ones((HALF, 1), f32))
    eg1 = m1.T * two(cat_ln_g)
    eg2 = m1.T * two(num_ln_g)
    eg3c = m1.T * two(out_ln_g[:HALF])
    eg3n = m1.T * two(out_ln_g[HALF:])
    ob2 = jnp.concatenate(
        [two(out_ln_b[:HALF]), two(out_ln_b[HALF:])], axis=1)
    vec = lambda n: pl.BlockSpec((1, n), lambda i: (0, 0))
    nb = T2 // TB
    return pl.pallas_call(
        _dense_body,
        grid=(nb,),
        in_specs=[
            pl.BlockSpec((TB, HID), lambda i: (i, 0)),
            pl.BlockSpec((8, TB), lambda i: (0, i)),
            pl.BlockSpec((8, HID), lambda i: (0, 0)),
            pl.BlockSpec((HID, 2), lambda i: (0, 0)),
            pl.BlockSpec((2, HID), lambda i: (0, 0)),
            pl.BlockSpec((2, HID), lambda i: (0, 0)),
            pl.BlockSpec((2, HID), lambda i: (0, 0)),
            pl.BlockSpec((2, HID), lambda i: (0, 0)),
            vec(HID), vec(HID), vec(HID),
            vec(2 * HID),
        ],
        out_specs=pl.BlockSpec((2, TB, HID), lambda i: (0, i, 0)),
        out_shape=jax.ShapeDtypeStruct((2, T2, HID), jnp.float32),
    )(cat_pre, num8, w2, m1, eg3c, eg3n, eg1, eg2,
      two(cat_ln_b), two(num_b), two(num_ln_b), ob2)



def kernel(current_test, current_question, current_tag, current_testTag,
           num_0, num_1, num_2, num_3,
           test_emb, question_emb, tag_emb, testTag_emb,
           cat_W, cat_b, cat_ln_g, cat_ln_b,
           num_W, num_b, num_ln_g, num_ln_b,
           out_ln_g, out_ln_b):
    lam = []
    for k in range(16):
        lam += [k, 16 + k]
    perm = jnp.asarray([g0 + x for g0 in (0, 32) for x in lam], jnp.int32)
    tab_t, tab_q, tab_g, tab_tt = _project(
        test_emb, question_emb, tag_emb, testTag_emb, cat_W[perm], cat_b[perm])

    def widx(a):
        return (a.reshape(2, NW, NCHUNK, CHUNK // 2)
                .transpose(1, 2, 0, 3).reshape(NW, NCHUNK, CHUNK))

    af = jnp.concatenate([num_0.reshape(-1), num_1.reshape(-1),
                          num_2.reshape(-1), num_3.reshape(-1)])

    cat_pre, num8 = _gather_sum(
        widx(current_test), widx(current_question),
        widx(current_tag), widx(current_testTag), af,
        tab_t, tab_q, tab_g, tab_tt)

    out = _dense(cat_pre, num8, num_W, num_b,
                 cat_ln_g, cat_ln_b, num_ln_g, num_ln_b, out_ln_g, out_ln_b)
    return out.reshape(B, L, HID)

# --- scband reference (transcript-rebuilt; emitter-appended) ---
"""Pipeline reference for scband-current-encoder-embedding-23897198035211 (READ-ONLY COPY).

The authoritative reference and input builder live on the scoring server;
editing this copy changes nothing except your own understanding.
"""

import jax, jax.numpy as jnp
import numpy as np

B, L = 1024, 200
HID = 128
INTD = HID // 3  # 42
N_TESTS, N_QUESTIONS, N_TAGS = 1538, 9455, 913
N_NUM = 4
HALF = HID // 2


def _ln(x, g, b, eps=1e-6):
    m = jnp.mean(x, axis=-1, keepdims=True)
    v = jnp.mean((x - m) ** 2, axis=-1, keepdims=True)
    return (x - m) / jnp.sqrt(v + eps) * g + b


def setup_inputs(seed: int = 0) -> dict:
    key = jax.random.key(seed)
    ks = jax.random.split(key, 20)
    inp = {}
    inp["current_test"] = jax.random.randint(ks[0], (B, L), 0, N_TESTS + 1, dtype=jnp.int32)
    inp["current_question"] = jax.random.randint(ks[1], (B, L), 0, N_QUESTIONS + 1, dtype=jnp.int32)
    inp["current_tag"] = jax.random.randint(ks[2], (B, L), 0, N_TAGS + 1, dtype=jnp.int32)
    inp["current_testTag"] = jax.random.randint(ks[3], (B, L), 0, 11, dtype=jnp.int32)
    for i in range(N_NUM):
        inp[f"num_{i}"] = jax.random.normal(ks[4 + i], (B, L), dtype=jnp.float32)
    s = 0.02
    inp["test_emb"] = jax.random.normal(ks[8], (N_TESTS + 1, INTD), dtype=jnp.float32) * s
    inp["question_emb"] = jax.random.normal(ks[9], (N_QUESTIONS + 1, INTD), dtype=jnp.float32) * s
    inp["tag_emb"] = jax.random.normal(ks[10], (N_TAGS + 1, INTD), dtype=jnp.float32) * s
    inp["testTag_emb"] = jax.random.normal(ks[11], (11, INTD), dtype=jnp.float32) * s
    inp["cat_W"] = jax.random.normal(ks[12], (HALF, INTD * 4), dtype=jnp.float32) * s
    inp["cat_b"] = jnp.zeros((HALF,), dtype=jnp.float32)
    inp["cat_ln_g"] = jnp.ones((HALF,), dtype=jnp.float32)
    inp["cat_ln_b"] = jnp.zeros((HALF,), dtype=jnp.float32)
    inp["num_W"] = jax.random.normal(ks[13], (HALF, N_NUM), dtype=jnp.float32) * s
    inp["num_b"] = jnp.zeros((HALF,), dtype=jnp.float32)
    inp["num_ln_g"] = jnp.ones((HALF,), dtype=jnp.float32)
    inp["num_ln_b"] = jnp.zeros((HALF,), dtype=jnp.float32)
    inp["out_ln_g"] = jnp.ones((HID,), dtype=jnp.float32)
    inp["out_ln_b"] = jnp.zeros((HID,), dtype=jnp.float32)
    return inp


def reference(current_test, current_question, current_tag, current_testTag,
              num_0, num_1, num_2, num_3,
              test_emb, question_emb, tag_emb, testTag_emb,
              cat_W, cat_b, cat_ln_g, cat_ln_b,
              num_W, num_b, num_ln_g, num_ln_b,
              out_ln_g, out_ln_b):
    e_test = jnp.take(test_emb, current_test, axis=0)
    e_q = jnp.take(question_emb, current_question, axis=0)
    e_tag = jnp.take(tag_emb, current_tag, axis=0)
    e_tt = jnp.take(testTag_emb, current_testTag, axis=0)
    cat = jnp.concatenate([e_test, e_q, e_tag, e_tt], axis=-1)
    cat = cat @ cat_W.T + cat_b
    cat = _ln(cat, cat_ln_g, cat_ln_b)
    # faithful to torch: concat numeric feats along dim 0, then reshape(B, L, -1)
    num_concat = jnp.concatenate([num_0, num_1, num_2, num_3], axis=0).astype(jnp.float32).reshape(B, L, -1)
    num = num_concat @ num_W.T + num_b
    num = _ln(num, num_ln_g, num_ln_b)
    emb = jnp.concatenate([cat, num], axis=-1)
    emb = _ln(emb, out_ln_g, out_ln_b)
    return emb

if __name__ == "__main__":
    import jax
    _d = setup_inputs()
    print(jax.jit(kernel)(*tuple(_d.values())))

</pallas_src>

<mosaic_0001>
#map = affine_map<(d0, d1) -> (0, 0, 0)>
#map1 = affine_map<(d0, d1) -> (0)>
#map2 = affine_map<(d0, d1) -> (0, 0)>
module attributes {stable_mosaic.version = 14 : i64} {
  func.func @_gather_sum_body(%arg0: i32, %arg1: i32, %arg2: memref<32x50x128xi32, #tpu.memory_space<hbm>>, %arg3: memref<32x50x128xi32, #tpu.memory_space<hbm>>, %arg4: memref<32x50x128xi32, #tpu.memory_space<hbm>>, %arg5: memref<32x50x128xi32, #tpu.memory_space<hbm>>, %arg6: memref<819200xf32, #tpu.memory_space<hbm>>, %arg7: memref<1539x64xbf16, #tpu.memory_space<hbm>>, %arg8: memref<9456x64xbf16, #tpu.memory_space<hbm>>, %arg9: memref<914x64xbf16, #tpu.memory_space<hbm>>, %arg10: memref<11x64xbf16, #tpu.memory_space<hbm>>, %arg11: memref<102400x128xf32, #tpu.memory_space<hbm>>, %arg12: memref<8x102400xf32, #tpu.memory_space<hbm>>, %arg13: memref<50x128xi32, #tpu.memory_space<vmem>>, %arg14: memref<50x128xi32, #tpu.memory_space<vmem>>, %arg15: memref<50x128xi32, #tpu.memory_space<vmem>>, %arg16: memref<50x128xi32, #tpu.memory_space<vmem>>, %arg17: memref<1539x64xbf16, #tpu.memory_space<vmem_shared>>, %arg18: memref<9456x64xbf16, #tpu.memory_space<vmem_shared>>, %arg19: memref<914x64xbf16, #tpu.memory_space<vmem_shared>>, %arg20: memref<11x64xbf16, #tpu.memory_space<vmem_shared>>, %arg21: memref<128x64xbf16, #tpu.memory_space<vmem>>, %arg22: memref<128x64xbf16, #tpu.memory_space<vmem>>, %arg23: memref<128x64xbf16, #tpu.memory_space<vmem>>, %arg24: memref<128x64xbf16, #tpu.memory_space<vmem>>, %arg25: memref<64x128xf32, #tpu.memory_space<vmem>>, %arg26: memref<128x64xbf16, #tpu.memory_space<vmem>>, %arg27: memref<128x64xbf16, #tpu.memory_space<vmem>>, %arg28: memref<128x64xbf16, #tpu.memory_space<vmem>>, %arg29: memref<128x64xbf16, #tpu.memory_space<vmem>>, %arg30: memref<64x128xf32, #tpu.memory_space<vmem>>, %arg31: memref<12800xf32, #tpu.memory_space<vmem>>, %arg32: memref<3200xf32, #tpu.memory_space<vmem>>, %arg33: memref<3200xf32, #tpu.memory_space<vmem>>, %arg34: memref<3200xf32, #tpu.memory_space<vmem>>, %arg35: memref<3200xf32, #tpu.memory_space<vmem>>, %arg36: memref<!tpu.dma_semaphore, #tpu.memory_space<semaphore_mem>>, %arg37: memref<!tpu.dma_semaphore, #tpu.memory_space<semaphore_mem>>, %arg38: memref<!tpu.dma_semaphore, #tpu.memory_space<semaphore_mem>>, %arg39: memref<!tpu.dma_semaphore, #tpu.memory_space<semaphore_mem>>) attributes {dimension_semantics = [#tpu.dimension_semantics<core_parallel>, #tpu.dimension_semantics<subcore_parallel>], iteration_bounds = array<i64: 2, 16>, scalar_prefetch = 0 : i64, scratch_operands = 27 : i64, tpu.core_type = #tpu.core_type<sc_vector_subcore>, window_params = [{transform_indices = #map}, {transform_indices = #map}, {transform_indices = #map}, {transform_indices = #map}, {transform_indices = #map1}, {transform_indices = #map2}, {transform_indices = #map2}, {transform_indices = #map2}, {transform_indices = #map2}, {transform_indices = #map2}, {transform_indices = #map2}]} {
    %mul3A = arith.constant 2 : i32
    %mul3A_0 = arith.muli %arg1, %mul3A : i32
    %add3A = arith.addi %mul3A_0, %arg0 : i32
    %mul3A_1 = arith.constant 6400 : i32
    %mul3A_2 = arith.muli %add3A, %mul3A_1 : i32
    %eq3A = arith.constant 0 : i32
    %eq3A_3 = arith.cmpi eq, %arg1, %eq3A : i32
    %convert_element_type3A = arith.extui %eq3A_3 : i1 to i32
    %cond3A = arith.constant 0 : i32
    %cond3A_4 = arith.cmpi ne, %convert_element_type3A, %cond3A : i32
    scf.if %cond3A_4 {
      "tpu.region"() ({
        %run_scoped3A = tpu.sem_alloc : memref<!tpu.dma_semaphore, #tpu.memory_space<semaphore_mem>>
        tpu.enqueue_dma source(%arg7 : memref<1539x64xbf16, #tpu.memory_space<hbm>>) target(%arg17 : memref<1539x64xbf16, #tpu.memory_space<vmem_shared>>) target_semaphore(%run_scoped3A : memref<!tpu.dma_semaphore, #tpu.memory_space<semaphore_mem>>)
        tpu.wait_dma2 semaphore(%run_scoped3A : memref<!tpu.dma_semaphore, #tpu.memory_space<semaphore_mem>>) src(%arg7 : memref<1539x64xbf16, #tpu.memory_space<hbm>>) dst(%arg17 : memref<1539x64xbf16, #tpu.memory_space<vmem_shared>>)
        tpu.yield
      }) : () -> ()
      "tpu.region"() ({
        %run_scoped3A = tpu.sem_alloc : memref<!tpu.dma_semaphore, #tpu.memory_space<semaphore_mem>>
        tpu.enqueue_dma source(%arg8 : memref<9456x64xbf16, #tpu.memory_space<hbm>>) target(%arg18 : memref<9456x64xbf16, #tpu.memory_space<vmem_shared>>) target_semaphore(%run_scoped3A : memref<!tpu.dma_semaphore, #tpu.memory_space<semaphore_mem>>)
        tpu.wait_dma2 semaphore(%run_scoped3A : memref<!tpu.dma_semaphore, #tpu.memory_space<semaphore_mem>>) src(%arg8 : memref<9456x64xbf16, #tpu.memory_space<hbm>>) dst(%arg18 : memref<9456x64xbf16, #tpu.memory_space<vmem_shared>>)
        tpu.yield
      }) : () -> ()
      "tpu.region"() ({
        %run_scoped3A = tpu.sem_alloc : memref<!tpu.dma_semaphore, #tpu.memory_space<semaphore_mem>>
        tpu.enqueue_dma source(%arg9 : memref<914x64xbf16, #tpu.memory_space<hbm>>) target(%arg19 : memref<914x64xbf16, #tpu.memory_space<vmem_shared>>) target_semaphore(%run_scoped3A : memref<!tpu.dma_semaphore, #tpu.memory_space<semaphore_mem>>)
        tpu.wait_dma2 semaphore(%run_scoped3A : memref<!tpu.dma_semaphore, #tpu.memory_space<semaphore_mem>>) src(%arg9 : memref<914x64xbf16, #tpu.memory_space<hbm>>) dst(%arg19 : memref<914x64xbf16, #tpu.memory_space<vmem_shared>>)
        tpu.yield
      }) : () -> ()
      "tpu.region"() ({
        %run_scoped3A = tpu.sem_alloc : memref<!tpu.dma_semaphore, #tpu.memory_space<semaphore_mem>>
        tpu.enqueue_dma source(%arg10 : memref<11x64xbf16, #tpu.memory_space<hbm>>) target(%arg20 : memref<11x64xbf16, #tpu.memory_space<vmem_shared>>) target_semaphore(%run_scoped3A : memref<!tpu.dma_semaphore, #tpu.memory_space<semaphore_mem>>)
        tpu.wait_dma2 semaphore(%run_scoped3A : memref<!tpu.dma_semaphore, #tpu.memory_space<semaphore_mem>>) src(%arg10 : memref<11x64xbf16, #tpu.memory_space<hbm>>) dst(%arg20 : memref<11x64xbf16, #tpu.memory_space<vmem_shared>>)
        tpu.yield
      }) : () -> ()
    } else {
    }
    "tpu.region"() ({
      %run_scoped3A = tpu.sem_alloc : memref<!tpu.dma_semaphore, #tpu.memory_space<semaphore_mem>>
      %dma_start3A_59 = arith.constant 0 : i32
      %dma_start3A_60 = arith.constant 0 : i32
      %dma_start3A_61 = tpu.memref_slice %arg2[%add3A, %dma_start3A_59, %dma_start3A_60] : memref<32x50x128xi32, #tpu.memory_space<hbm>> -> memref<1x50x128xi32, #tpu.memory_space<hbm>>
      %dma_start3A_62 = tpu.memref_squeeze %dma_start3A_61 : memref<1x50x128xi32, #tpu.memory_space<hbm>> -> memref<50x128xi32, #tpu.memory_space<hbm>>
      %dma_start3A_63 = arith.constant 0 : i32
      %dma_start3A_64 = arith.constant 0 : i32
      %dma_start3A_65 = tpu.memref_slice %arg2[%add3A, %dma_start3A_63, %dma_start3A_64] : memref<32x50x128xi32, #tpu.memory_space<hbm>> -> memref<1x50x128xi32, #tpu.memory_space<hbm>>
      %dma_start3A_66 = tpu.memref_squeeze %dma_start3A_65 : memref<1x50x128xi32, #tpu.memory_space<hbm>> -> memref<50x128xi32, #tpu.memory_space<hbm>>
      tpu.enqueue_dma source(%dma_start3A_66 : memref<50x128xi32, #tpu.memory_space<hbm>>) target(%arg13 : memref<50x128xi32, #tpu.memory_space<vmem>>) target_semaphore(%run_scoped3A : memref<!tpu.dma_semaphore, #tpu.memory_space<semaphore_mem>>)
      %dma_wait3A_67 = arith.constant 0 : i32
      %dma_wait3A_68 = arith.constant 0 : i32
      %dma_wait3A_69 = tpu.memref_slice %arg2[%add3A, %dma_wait3A_67, %dma_wait3A_68] : memref<32x50x128xi32, #tpu.memory_space<hbm>> -> memref<1x50x128xi32, #tpu.memory_space<hbm>>
      %dma_wait3A_70 = tpu.memref_squeeze %dma_wait3A_69 : memref<1x50x128xi32, #tpu.memory_space<hbm>> -> memref<50x128xi32, #tpu.memory_space<hbm>>
      %dma_wait3A_71 = arith.constant 0 : i32
      %dma_wait3A_72 = arith.constant 0 : i32
      %dma_wait3A_73 = tpu.memref_slice %arg2[%add3A, %dma_wait3A_71, %dma_wait3A_72] : memref<32x50x128xi32, #tpu.memory_space<hbm>> -> memref<1x50x128xi32, #tpu.memory_space<hbm>>
      %dma_wait3A_74 = tpu.memref_squeeze %dma_wait3A_73 : memref<1x50x128xi32, #tpu.memory_space<hbm>> -> memref<50x128xi32, #tpu.memory_space<hbm>>
      tpu.wait_dma2 semaphore(%run_scoped3A : memref<!tpu.dma_semaphore, #tpu.memory_space<semaphore_mem>>) src(%dma_wait3A_74 : memref<50x128xi32, #tpu.memory_space<hbm>>) dst(%arg13 : memref<50x128xi32, #tpu.memory_space<vmem>>)
      tpu.yield
    }) : () -> ()
    "tpu.region"() ({
      %run_scoped3A = tpu.sem_alloc : memref<!tpu.dma_semaphore, #tpu.memory_space<semaphore_mem>>
      %dma_start3A_59 = arith.constant 0 : i32
      %dma_start3A_60 = arith.constant 0 : i32
      %dma_start3A_61 = tpu.memref_slice %arg3[%add3A, %dma_start3A_59, %dma_start3A_60] : memref<32x50x128xi32, #tpu.memory_space<hbm>> -> memref<1x50x128xi32, #tpu.memory_space<hbm>>
      %dma_start3A_62 = tpu.memref_squeeze %dma_start3A_61 : memref<1x50x128xi32, #tpu.memory_space<hbm>> -> memref<50x128xi32, #tpu.memory_space<hbm>>
      %dma_start3A_63 = arith.constant 0 : i32
      %dma_start3A_64 = arith.constant 0 : i32
      %dma_start3A_65 = tpu.memref_slice %arg3[%add3A, %dma_start3A_63, %dma_start3A_64] : memref<32x50x128xi32, #tpu.memory_space<hbm>> -> memref<1x50x128xi32, #tpu.memory_space<hbm>>
      %dma_start3A_66 = tpu.memref_squeeze %dma_start3A_65 : memref<1x50x128xi32, #tpu.memory_space<hbm>> -> memref<50x128xi32, #tpu.memory_space<hbm>>
      tpu.enqueue_dma source(%dma_start3A_66 : memref<50x128xi32, #tpu.memory_space<hbm>>) target(%arg14 : memref<50x128xi32, #tpu.memory_space<vmem>>) target_semaphore(%run_scoped3A : memref<!tpu.dma_semaphore, #tpu.memory_space<semaphore_mem>>)
      %dma_wait3A_67 = arith.constant 0 : i32
      %dma_wait3A_68 = arith.constant 0 : i32
      %dma_wait3A_69 = tpu.memref_slice %arg3[%add3A, %dma_wait3A_67, %dma_wait3A_68] : memref<32x50x128xi32, #tpu.memory_space<hbm>> -> memref<1x50x128xi32, #tpu.memory_space<hbm>>
      %dma_wait3A_70 = tpu.memref_squeeze %dma_wait3A_69 : memref<1x50x128xi32, #tpu.memory_space<hbm>> -> memref<50x128xi32, #tpu.memory_space<hbm>>
      %dma_wait3A_71 = arith.constant 0 : i32
      %dma_wait3A_72 = arith.constant 0 : i32
      %dma_wait3A_73 = tpu.memref_slice %arg3[%add3A, %dma_wait3A_71, %dma_wait3A_72] : memref<32x50x128xi32, #tpu.memory_space<hbm>> -> memref<1x50x128xi32, #tpu.memory_space<hbm>>
      %dma_wait3A_74 = tpu.memref_squeeze %dma_wait3A_73 : memref<1x50x128xi32, #tpu.memory_space<hbm>> -> memref<50x128xi32, #tpu.memory_space<hbm>>
      tpu.wait_dma2 semaphore(%run_scoped3A : memref<!tpu.dma_semaphore, #tpu.memory_space<semaphore_mem>>) src(%dma_wait3A_74 : memref<50x128xi32, #tpu.memory_space<hbm>>) dst(%arg14 : memref<50x128xi32, #tpu.memory_space<vmem>>)
      tpu.yield
    }) : () -> ()
    "tpu.region"() ({
      %run_scoped3A = tpu.sem_alloc : memref<!tpu.dma_semaphore, #tpu.memory_space<semaphore_mem>>
      %dma_start3A_59 = arith.constant 0 : i32
      %dma_start3A_60 = arith.constant 0 : i32
      %dma_start3A_61 = tpu.memref_slice %arg4[%add3A, %dma_start3A_59, %dma_start3A_60] : memref<32x50x128xi32, #tpu.memory_space<hbm>> -> memref<1x50x128xi32, #tpu.memory_space<hbm>>
      %dma_start3A_62 = tpu.memref_squeeze %dma_start3A_61 : memref<1x50x128xi32, #tpu.memory_space<hbm>> -> memref<50x128xi32, #tpu.memory_space<hbm>>
      %dma_start3A_63 = arith.constant 0 : i32
      %dma_start3A_64 = arith.constant 0 : i32
      %dma_start3A_65 = tpu.memref_slice %arg4[%add3A, %dma_start3A_63, %dma_start3A_64] : memref<32x50x128xi32, #tpu.memory_space<hbm>> -> memref<1x50x128xi32, #tpu.memory_space<hbm>>
      %dma_start3A_66 = tpu.memref_squeeze %dma_start3A_65 : memref<1x50x128xi32, #tpu.memory_space<hbm>> -> memref<50x128xi32, #tpu.memory_space<hbm>>
      tpu.enqueue_dma source(%dma_start3A_66 : memref<50x128xi32, #tpu.memory_space<hbm>>) target(%arg15 : memref<50x128xi32, #tpu.memory_space<vmem>>) target_semaphore(%run_scoped3A : memref<!tpu.dma_semaphore, #tpu.memory_space<semaphore_mem>>)
      %dma_wait3A_67 = arith.constant 0 : i32
      %dma_wait3A_68 = arith.constant 0 : i32
      %dma_wait3A_69 = tpu.memref_slice %arg4[%add3A, %dma_wait3A_67, %dma_wait3A_68] : memref<32x50x128xi32, #tpu.memory_space<hbm>> -> memref<1x50x128xi32, #tpu.memory_space<hbm>>
      %dma_wait3A_70 = tpu.memref_squeeze %dma_wait3A_69 : memref<1x50x128xi32, #tpu.memory_space<hbm>> -> memref<50x128xi32, #tpu.memory_space<hbm>>
      %dma_wait3A_71 = arith.constant 0 : i32
      %dma_wait3A_72 = arith.constant 0 : i32
      %dma_wait3A_73 = tpu.memref_slice %arg4[%add3A, %dma_wait3A_71, %dma_wait3A_72] : memref<32x50x128xi32, #tpu.memory_space<hbm>> -> memref<1x50x128xi32, #tpu.memory_space<hbm>>
      %dma_wait3A_74 = tpu.memref_squeeze %dma_wait3A_73 : memref<1x50x128xi32, #tpu.memory_space<hbm>> -> memref<50x128xi32, #tpu.memory_space<hbm>>
      tpu.wait_dma2 semaphore(%run_scoped3A : memref<!tpu.dma_semaphore, #tpu.memory_space<semaphore_mem>>) src(%dma_wait3A_74 : memref<50x128xi32, #tpu.memory_space<hbm>>) dst(%arg15 : memref<50x128xi32, #tpu.memory_space<vmem>>)
      tpu.yield
    }) : () -> ()
    "tpu.region"() ({
      %run_scoped3A = tpu.sem_alloc : memref<!tpu.dma_semaphore, #tpu.memory_space<semaphore_mem>>
      %dma_start3A_59 = arith.constant 0 : i32
      %dma_start3A_60 = arith.constant 0 : i32
      %dma_start3A_61 = tpu.memref_slice %arg5[%add3A, %dma_start3A_59, %dma_start3A_60] : memref<32x50x128xi32, #tpu.memory_space<hbm>> -> memref<1x50x128xi32, #tpu.memory_space<hbm>>
      %dma_start3A_62 = tpu.memref_squeeze %dma_start3A_61 : memref<1x50x128xi32, #tpu.memory_space<hbm>> -> memref<50x128xi32, #tpu.memory_space<hbm>>
      %dma_start3A_63 = arith.constant 0 : i32
      %dma_start3A_64 = arith.constant 0 : i32
      %dma_start3A_65 = tpu.memref_slice %arg5[%add3A, %dma_start3A_63, %dma_start3A_64] : memref<32x50x128xi32, #tpu.memory_space<hbm>> -> memref<1x50x128xi32, #tpu.memory_space<hbm>>
      %dma_start3A_66 = tpu.memref_squeeze %dma_start3A_65 : memref<1x50x128xi32, #tpu.memory_space<hbm>> -> memref<50x128xi32, #tpu.memory_space<hbm>>
      tpu.enqueue_dma source(%dma_start3A_66 : memref<50x128xi32, #tpu.memory_space<hbm>>) target(%arg16 : memref<50x128xi32, #tpu.memory_space<vmem>>) target_semaphore(%run_scoped3A : memref<!tpu.dma_semaphore, #tpu.memory_space<semaphore_mem>>)
      %dma_wait3A_67 = arith.constant 0 : i32
      %dma_wait3A_68 = arith.constant 0 : i32
      %dma_wait3A_69 = tpu.memref_slice %arg5[%add3A, %dma_wait3A_67, %dma_wait3A_68] : memref<32x50x128xi32, #tpu.memory_space<hbm>> -> memref<1x50x128xi32, #tpu.memory_space<hbm>>
      %dma_wait3A_70 = tpu.memref_squeeze %dma_wait3A_69 : memref<1x50x128xi32, #tpu.memory_space<hbm>> -> memref<50x128xi32, #tpu.memory_space<hbm>>
      %dma_wait3A_71 = arith.constant 0 : i32
      %dma_wait3A_72 = arith.constant 0 : i32
      %dma_wait3A_73 = tpu.memref_slice %arg5[%add3A, %dma_wait3A_71, %dma_wait3A_72] : memref<32x50x128xi32, #tpu.memory_space<hbm>> -> memref<1x50x128xi32, #tpu.memory_space<hbm>>
      %dma_wait3A_74 = tpu.memref_squeeze %dma_wait3A_73 : memref<1x50x128xi32, #tpu.memory_space<hbm>> -> memref<50x128xi32, #tpu.memory_space<hbm>>
      tpu.wait_dma2 semaphore(%run_scoped3A : memref<!tpu.dma_semaphore, #tpu.memory_space<semaphore_mem>>) src(%dma_wait3A_74 : memref<50x128xi32, #tpu.memory_space<hbm>>) dst(%arg16 : memref<50x128xi32, #tpu.memory_space<vmem>>)
      tpu.yield
    }) : () -> ()
    %barrier3A = arith.constant 0 : index
    tpu.barrier barrier_id(%barrier3A)
    %broadcast_in_dim3A = arith.constant 0.000000e+00 : bf16
    %broadcast_in_dim3A_5 = vector.broadcast %broadcast_in_dim3A : bf16 to vector<32xbf16>
    %mul3A_6 = arith.constant 3200 : i32
    %mul3A_7 = arith.muli %add3A, %mul3A_6 : i32
    %scan3A = arith.constant 0 : i32
    %scan3A_8 = arith.constant 0 : i32
    %scan3A_9 = arith.constant 32 : i32
    %scan3A_10 = arith.addi %scan3A_8, %scan3A_9 : i32
    %scan3A_11 = arith.constant 1 : i32
    scf.for %scan3A_59 = %scan3A_8 to %scan3A_10 step %scan3A_11  : i32 {
      %mul3A_60 = arith.constant 4 : i32
      %mul3A_61 = arith.muli %scan3A_59, %mul3A_60 : i32
      %add3A_62 = arith.constant 0 : i32
      %add3A_63 = arith.addi %mul3A_61, %add3A_62 : i32
      %swap3A = arith.index_cast %add3A_63 : i32 to index
      %swap3A_64 = arith.constant 0 : index
      %swap3A_65 = tpu.vector_load %arg21[%swap3A, %swap3A_64] {strides = array<i32>} : memref<128x64xbf16, #tpu.memory_space<vmem>>, vector<32xbf16>,
      tpu.vector_store %arg21[%swap3A, %swap3A_64], %broadcast_in_dim3A_5 {strides = array<i32>} : memref<128x64xbf16, #tpu.memory_space<vmem>>, vector<32xbf16>,
      %mul3A_66 = arith.constant 4 : i32
      %mul3A_67 = arith.muli %scan3A_59, %mul3A_66 : i32
      %add3A_68 = arith.constant 0 : i32
      %add3A_69 = arith.addi %mul3A_67, %add3A_68 : i32
      %swap3A_70 = arith.index_cast %add3A_69 : i32 to index
      %swap3A_71 = arith.constant 32 : index
      %swap3A_72 = tpu.vector_load %arg21[%swap3A_70, %swap3A_71] {strides = array<i32>} : memref<128x64xbf16, #tpu.memory_space<vmem>>, vector<32xbf16>,
      tpu.vector_store %arg21[%swap3A_70, %swap3A_71], %broadcast_in_dim3A_5 {strides = array<i32>} : memref<128x64xbf16, #tpu.memory_space<vmem>>, vector<32xbf16>,
      %mul3A_73 = arith.constant 4 : i32
      %mul3A_74 = arith.muli %scan3A_59, %mul3A_73 : i32
      %add3A_75 = arith.constant 1 : i32
      %add3A_76 = arith.addi %mul3A_74, %add3A_75 : i32
      %swap3A_77 = arith.index_cast %add3A_76 : i32 to index
      %swap3A_78 = arith.constant 0 : index
      %swap3A_79 = tpu.vector_load %arg21[%swap3A_77, %swap3A_78] {strides = array<i32>} : memref<128x64xbf16, #tpu.memory_space<vmem>>, vector<32xbf16>,
      tpu.vector_store %arg21[%swap3A_77, %swap3A_78], %broadcast_in_dim3A_5 {strides = array<i32>} : memref<128x64xbf16, #tpu.memory_space<vmem>>, vector<32xbf16>,
      %mul3A_80 = arith.constant 4 : i32
      %mul3A_81 = arith.muli %scan3A_59, %mul3A_80 : i32
      %add3A_82 = arith.constant 1 : i32
      %add3A_83 = arith.addi %mul3A_81, %add3A_82 : i32
      %swap3A_84 = arith.index_cast %add3A_83 : i32 to index
      %swap3A_85 = arith.constant 32 : index
      %swap3A_86 = tpu.vector_load %arg21[%swap3A_84, %swap3A_85] {strides = array<i32>} : memref<128x64xbf16, #tpu.memory_space<vmem>>, vector<32xbf16>,
      tpu.vector_store %arg21[%swap3A_84, %swap3A_85], %broadcast_in_dim3A_5 {strides = array<i32>} : memref<128x64xbf16, #tpu.memory_space<vmem>>, vector<32xbf16>,
      %mul3A_87 = arith.constant 4 : i32
      %mul3A_88 = arith.muli %scan3A_59, %mul3A_87 : i32
      %add3A_89 = arith.constant 2 : i32
      %add3A_90 = arith.addi %mul3A_88, %add3A_89 : i32
      %swap3A_91 = arith.index_cast %add3A_90 : i32 to index
      %swap3A_92 = arith.constant 0 : index
      %swap3A_93 = tpu.vector_load %arg21[%swap3A_91, %swap3A_92] {strides = array<i32>} : memref<128x64xbf16, #tpu.memory_space<vmem>>, vector<32xbf16>,
      tpu.vector_store %arg21[%swap3A_91, %swap3A_92], %broadcast_in_dim3A_5 {strides = array<i32>} : memref<128x64xbf16, #tpu.memory_space<vmem>>, vector<32xbf16>,
      %mul3A_94 = arith.constant 4 : i32
      %mul3A_95 = arith.muli %scan3A_59, %mul3A_94 : i32
      %add3A_96 = arith.constant 2 : i32
      %add3A_97 = arith.addi %mul3A_95, %add3A_96 : i32
      %swap3A_98 = arith.index_cast %add3A_97 : i32 to index
      %swap3A_99 = arith.constant 32 : index
      %swap3A_100 = tpu.vector_load %arg21[%swap3A_98, %swap3A_99] {strides = array<i32>} : memref<128x64xbf16, #tpu.memory_space<vmem>>, vector<32xbf16>,
      tpu.vector_store %arg21[%swap3A_98, %swap3A_99], %broadcast_in_dim3A_5 {strides = array<i32>} : memref<128x64xbf16, #tpu.memory_space<vmem>>, vector<32xbf16>,
      %mul3A_101 = arith.constant 4 : i32
      %mul3A_102 = arith.muli %scan3A_59, %mul3A_101 : i32
      %add3A_103 = arith.constant 3 : i32
      %add3A_104 = arith.addi %mul3A_102, %add3A_103 : i32
      %swap3A_105 = arith.index_cast %add3A_104 : i32 to index
      %swap3A_106 = arith.constant 0 : index
      %swap3A_107 = tpu.vector_load %arg21[%swap3A_105, %swap3A_106] {strides = array<i32>} : memref<128x64xbf16, #tpu.memory_space<vmem>>, vector<32xbf16>,
      tpu.vector_store %arg21[%swap3A_105, %swap3A_106], %broadcast_in_dim3A_5 {strides = array<i32>} : memref<128x64xbf16, #tpu.memory_space<vmem>>, vector<32xbf16>,
      %mul3A_108 = arith.constant 4 : i32
      %mul3A_109 = arith.muli %scan3A_59, %mul3A_108 : i32
      %add3A_110 = arith.constant 3 : i32
      %add3A_111 = arith.addi %mul3A_109, %add3A_110 : i32
      %swap3A_112 = arith.index_cast %add3A_111 : i32 to index
      %swap3A_113 = arith.constant 32 : index
      %swap3A_114 = tpu.vector_load %arg21[%swap3A_112, %swap3A_113] {strides = array<i32>} : memref<128x64xbf16, #tpu.memory_space<vmem>>, vector<32xbf16>,
      tpu.vector_store %arg21[%swap3A_112, %swap3A_113], %broadcast_in_dim3A_5 {strides = array<i32>} : memref<128x64xbf16, #tpu.memory_space<vmem>>, vector<32xbf16>,
    }
    %scan3A_12 = arith.constant 32 : i32
    %dma_start3A = arith.constant 0 : i32
    %dma_start3A_13 = arith.constant 0 : i32
    %dma_start3A_14 = tpu.memref_slice %arg13[%dma_start3A, %dma_start3A_13] : memref<50x128xi32, #tpu.memory_space<vmem>> -> memref<1x128xi32, #tpu.memory_space<vmem>>
    %dma_start3A_15 = tpu.memref_squeeze %dma_start3A_14 : memref<1x128xi32, #tpu.memory_space<vmem>> -> memref<128xi32, #tpu.memory_space<vmem>>
    %dma_start3A_16 = arith.constant 0 : i32
    %dma_start3A_17 = arith.constant 0 : i32
    %dma_start3A_18 = tpu.memref_slice %arg17[%dma_start3A_16, %dma_start3A_17] : memref<1539x64xbf16, #tpu.memory_space<vmem_shared>> -> memref<1539x64xbf16, #tpu.memory_space<vmem_shared>>
    tpu.enqueue_indirect_dma source(%dma_start3A_18 : memref<1539x64xbf16, #tpu.memory_space<vmem_shared>>) target(%arg21 : memref<128x64xbf16, #tpu.memory_space<vmem>>) offsets(%dma_start3A_15 : memref<128xi32, #tpu.memory_space<vmem>>) semaphore(%arg36 : memref<!tpu.dma_semaphore, #tpu.memory_space<semaphore_mem>>) {add = true}
    %dma_start3A_19 = arith.constant 0 : i32
    %dma_start3A_20 = arith.constant 0 : i32
    %dma_start3A_21 = tpu.memref_slice %arg14[%dma_start3A_19, %dma_start3A_20] : memref<50x128xi32, #tpu.memory_space<vmem>> -> memref<1x128xi32, #tpu.memory_space<vmem>>
    %dma_start3A_22 = tpu.memref_squeeze %dma_start3A_21 : memref<1x128xi32, #tpu.memory_space<vmem>> -> memref<128xi32, #tpu.memory_space<vmem>>
    %dma_start3A_23 = arith.constant 0 : i32
    %dma_start3A_24 = arith.constant 0 : i32
    %dma_start3A_25 = tpu.memref_slice %arg18[%dma_start3A_23, %dma_start3A_24] : memref<9456x64xbf16, #tpu.memory_space<vmem_shared>> -> memref<9456x64xbf16, #tpu.memory_space<vmem_shared>>
    tpu.enqueue_indirect_dma source(%dma_start3A_25 : memref<9456x64xbf16, #tpu.memory_space<vmem_shared>>) target(%arg21 : memref<128x64xbf16, #tpu.memory_space<vmem>>) offsets(%dma_start3A_22 : memref<128xi32, #tpu.memory_space<vmem>>) semaphore(%arg36 : memref<!tpu.dma_semaphore, #tpu.memory_space<semaphore_mem>>) {add = true}
    %dma_start3A_26 = arith.constant 0 : i32
    %dma_start3A_27 = arith.constant 0 : i32
    %dma_start3A_28 = tpu.memref_slice %arg15[%dma_start3A_26, %dma_start3A_27] : memref<50x128xi32, #tpu.memory_space<vmem>> -> memref<1x128xi32, #tpu.memory_space<vmem>>
    %dma_start3A_29 = tpu.memref_squeeze %dma_start3A_28 : memref<1x128xi32, #tpu.memory_space<vmem>> -> memref<128xi32, #tpu.memory_space<vmem>>
    %dma_start3A_30 = arith.constant 0 : i32
    %dma_start3A_31 = arith.constant 0 : i32
    %dma_start3A_32 = tpu.memref_slice %arg19[%dma_start3A_30, %dma_start3A_31] : memref<914x64xbf16, #tpu.memory_space<vmem_shared>> -> memref<914x64xbf16, #tpu.memory_space<vmem_shared>>
    tpu.enqueue_indirect_dma source(%dma_start3A_32 : memref<914x64xbf16, #tpu.memory_space<vmem_shared>>) target(%arg21 : memref<128x64xbf16, #tpu.memory_space<vmem>>) offsets(%dma_start3A_29 : memref<128xi32, #tpu.memory_space<vmem>>) semaphore(%arg36 : memref<!tpu.dma_semaphore, #tpu.memory_space<semaphore_mem>>) {add = true}
    %dma_start3A_33 = arith.constant 0 : i32
    %dma_start3A_34 = arith.constant 0 : i32
    %dma_start3A_35 = tpu.memref_slice %arg16[%dma_start3A_33, %dma_start3A_34] : memref<50x128xi32, #tpu.memory_space<vmem>> -> memref<1x128xi32, #tpu.memory_space<vmem>>
    %dma_start3A_36 = tpu.memref_squeeze %dma_start3A_35 : memref<1x128xi32, #tpu.memory_space<vmem>> -> memref<128xi32, #tpu.memory_space<vmem>>
    %dma_start3A_37 = arith.constant 0 : i32
    %dma_start3A_38 = arith.constant 0 : i32
    %dma_start3A_39 = tpu.memref_slice %arg20[%dma_start3A_37, %dma_start3A_38] : memref<11x64xbf16, #tpu.memory_space<vmem_shared>> -> memref<11x64xbf16, #tpu.memory_space<vmem_shared>>
    tpu.enqueue_indirect_dma source(%dma_start3A_39 : memref<11x64xbf16, #tpu.memory_space<vmem_shared>>) target(%arg21 : memref<128x64xbf16, #tpu.memory_space<vmem>>) offsets(%dma_start3A_36 : memref<128xi32, #tpu.memory_space<vmem>>) semaphore(%arg36 : memref<!tpu.dma_semaphore, #tpu.memory_space<semaphore_mem>>) {add = true}
    %scan3A_40 = arith.constant 0 : i32
    %scan3A_41 = arith.constant 0 : i32
    %scan3A_42 = arith.constant 25 : i32
    %scan3A_43 = arith.addi %scan3A_41, %scan3A_42 : i32
    %scan3A_44 = arith.constant 1 : i32
    scf.for %scan3A_59 = %scan3A_41 to %scan3A_43 step %scan3A_44  : i32 {
      %mul3A_60 = arith.constant 2 : i32
      %mul3A_61 = arith.muli %mul3A_60, %scan3A_59 : i32
      %mul3A_62 = arith.constant 2 : i32
      %mul3A_63 = arith.muli %mul3A_62, %scan3A_59 : i32
      %add3A_64 = arith.constant 1 : i32
      %add3A_65 = arith.addi %mul3A_63, %add3A_64 : i32
      %scan3A_66 = arith.constant 0 : i32
      %scan3A_67 = arith.constant 0 : i32
      %scan3A_68 = arith.constant 32 : i32
      %scan3A_69 = arith.addi %scan3A_67, %scan3A_68 : i32
      %scan3A_70 = arith.constant 1 : i32
      scf.for %scan3A_183 = %scan3A_67 to %scan3A_69 step %scan3A_70  : i32 {
        %mul3A_184 = arith.constant 4 : i32
        %mul3A_185 = arith.muli %scan3A_183, %mul3A_184 : i32
        %add3A_186 = arith.constant 0 : i32
        %add3A_187 = arith.addi %mul3A_185, %add3A_186 : i32
        %swap3A = arith.index_cast %add3A_187 : i32 to index
        %swap3A_188 = arith.constant 0 : index
        %swap3A_189 = tpu.vector_load %arg26[%swap3A, %swap3A_188] {strides = array<i32>} : memref<128x64xbf16, #tpu.memory_space<vmem>>, vector<32xbf16>,
        tpu.vector_store %arg26[%swap3A, %swap3A_188], %broadcast_in_dim3A_5 {strides = array<i32>} : memref<128x64xbf16, #tpu.memory_space<vmem>>, vector<32xbf16>,
        %mul3A_190 = arith.constant 4 : i32
        %mul3A_191 = arith.muli %scan3A_183, %mul3A_190 : i32
        %add3A_192 = arith.constant 0 : i32
        %add3A_193 = arith.addi %mul3A_191, %add3A_192 : i32
        %swap3A_194 = arith.index_cast %add3A_193 : i32 to index
        %swap3A_195 = arith.constant 32 : index
        %swap3A_196 = tpu.vector_load %arg26[%swap3A_194, %swap3A_195] {strides = array<i32>} : memref<128x64xbf16, #tpu.memory_space<vmem>>, vector<32xbf16>,
        tpu.vector_store %arg26[%swap3A_194, %swap3A_195], %broadcast_in_dim3A_5 {strides = array<i32>} : memref<128x64xbf16, #tpu.memory_space<vmem>>, vector<32xbf16>,
        %mul3A_197 = arith.constant 4 : i32
        %mul3A_198 = arith.muli %scan3A_183, %mul3A_197 : i32
        %add3A_199 = arith.constant 1 : i32
        %add3A_200 = arith.addi %mul3A_198, %add3A_199 : i32
        %swap3A_201 = arith.index_cast %add3A_200 : i32 to index
        %swap3A_202 = arith.constant 0 : index
        %swap3A_203 = tpu.vector_load %arg26[%swap3A_201, %swap3A_202] {strides = array<i32>} : memref<128x64xbf16, #tpu.memory_space<vmem>>, vector<32xbf16>,
        tpu.vector_store %arg26[%swap3A_201, %swap3A_202], %broadcast_in_dim3A_5 {strides = array<i32>} : memref<128x64xbf16, #tpu.memory_space<vmem>>, vector<32xbf16>,
        %mul3A_204 = arith.constant 4 : i32
        %mul3A_205 = arith.muli %scan3A_183, %mul3A_204 : i32
        %add3A_206 = arith.constant 1 : i32
        %add3A_207 = arith.addi %mul3A_205, %add3A_206 : i32
        %swap3A_208 = arith.index_cast %add3A_207 : i32 to index
        %swap3A_209 = arith.constant 32 : index
        %swap3A_210 = tpu.vector_load %arg26[%swap3A_208, %swap3A_209] {strides = array<i32>} : memref<128x64xbf16, #tpu.memory_space<vmem>>, vector<32xbf16>,
        tpu.vector_store %arg26[%swap3A_208, %swap3A_209], %broadcast_in_dim3A_5 {strides = array<i32>} : memref<128x64xbf16, #tpu.memory_space<vmem>>, vector<32xbf16>,
        %mul3A_211 = arith.constant 4 : i32
        %mul3A_212 = arith.muli %scan3A_183, %mul3A_211 : i32
        %add3A_213 = arith.constant 2 : i32
        %add3A_214 = arith.addi %mul3A_212, %add3A_213 : i32
        %swap3A_215 = arith.index_cast %add3A_214 : i32 to index
        %swap3A_216 = arith.constant 0 : index
        %swap3A_217 = tpu.vector_load %arg26[%swap3A_215, %swap3A_216] {strides = array<i32>} : memref<128x64xbf16, #tpu.memory_space<vmem>>, vector<32xbf16>,
        tpu.vector_store %arg26[%swap3A_215, %swap3A_216], %broadcast_in_dim3A_5 {strides = array<i32>} : memref<128x64xbf16, #tpu.memory_space<vmem>>, vector<32xbf16>,
        %mul3A_218 = arith.constant 4 : i32
        %mul3A_219 = arith.muli %scan3A_183, %mul3A_218 : i32
        %add3A_220 = arith.constant 2 : i32
        %add3A_221 = arith.addi %mul3A_219, %add3A_220 : i32
        %swap3A_222 = arith.index_cast %add3A_221 : i32 to index
        %swap3A_223 = arith.constant 32 : index
        %swap3A_224 = tpu.vector_load %arg26[%swap3A_222, %swap3A_223] {strides = array<i32>} : memref<128x64xbf16, #tpu.memory_space<vmem>>, vector<32xbf16>,
        tpu.vector_store %arg26[%swap3A_222, %swap3A_223], %broadcast_in_dim3A_5 {strides = array<i32>} : memref<128x64xbf16, #tpu.memory_space<vmem>>, vector<32xbf16>,
        %mul3A_225 = arith.constant 4 : i32
        %mul3A_226 = arith.muli %scan3A_183, %mul3A_225 : i32
        %add3A_227 = arith.constant 3 : i32
        %add3A_228 = arith.addi %mul3A_226, %add3A_227 : i32
        %swap3A_229 = arith.index_cast %add3A_228 : i32 to index
        %swap3A_230 = arith.constant 0 : index
        %swap3A_231 = tpu.vector_load %arg26[%swap3A_229, %swap3A_230] {strides = array<i32>} : memref<128x64xbf16, #tpu.memory_space<vmem>>, vector<32xbf16>,
        tpu.vector_store %arg26[%swap3A_229, %swap3A_230], %broadcast_in_dim3A_5 {strides = array<i32>} : memref<128x64xbf16, #tpu.memory_space<vmem>>, vector<32xbf16>,
        %mul3A_232 = arith.constant 4 : i32
        %mul3A_233 = arith.muli %scan3A_183, %mul3A_232 : i32
        %add3A_234 = arith.constant 3 : i32
        %add3A_235 = arith.addi %mul3A_233, %add3A_234 : i32
        %swap3A_236 = arith.index_cast %add3A_235 : i32 to index
        %swap3A_237 = arith.constant 32 : index
        %swap3A_238 = tpu.vector_load %arg26[%swap3A_236, %swap3A_237] {strides = array<i32>} : memref<128x64xbf16, #tpu.memory_space<vmem>>, vector<32xbf16>,
        tpu.vector_store %arg26[%swap3A_236, %swap3A_237], %broadcast_in_dim3A_5 {strides = array<i32>} : memref<128x64xbf16, #tpu.memory_space<vmem>>, vector<32xbf16>,
      }
      %scan3A_71 = arith.constant 32 : i32
      %dma_start3A_72 = arith.constant 0 : i32
      %dma_start3A_73 = tpu.memref_slice %arg13[%add3A_65, %dma_start3A_72] : memref<50x128xi32, #tpu.memory_space<vmem>> -> memref<1x128xi32, #tpu.memory_space<vmem>>
      %dma_start3A_74 = tpu.memref_squeeze %dma_start3A_73 : memref<1x128xi32, #tpu.memory_space<vmem>> -> memref<128xi32, #tpu.memory_space<vmem>>
      %dma_start3A_75 = arith.constant 0 : i32
      %dma_start3A_76 = arith.constant 0 : i32
      %dma_start3A_77 = tpu.memref_slice %arg17[%dma_start3A_75, %dma_start3A_76] : memref<1539x64xbf16, #tpu.memory_space<vmem_shared>> -> memref<1539x64xbf16, #tpu.memory_space<vmem_shared>>
      tpu.enqueue_indirect_dma source(%dma_start3A_77 : memref<1539x64xbf16, #tpu.memory_space<vmem_shared>>) target(%arg26 : memref<128x64xbf16, #tpu.memory_space<vmem>>) offsets(%dma_start3A_74 : memref<128xi32, #tpu.memory_space<vmem>>) semaphore(%arg37 : memref<!tpu.dma_semaphore, #tpu.memory_space<semaphore_mem>>) {add = true}
      %dma_start3A_78 = arith.constant 0 : i32
      %dma_start3A_79 = tpu.memref_slice %arg14[%add3A_65, %dma_start3A_78] : memref<50x128xi32, #tpu.memory_space<vmem>> -> memref<1x128xi32, #tpu.memory_space<vmem>>
      %dma_start3A_80 = tpu.memref_squeeze %dma_start3A_79 : memref<1x128xi32, #tpu.memory_space<vmem>> -> memref<128xi32, #tpu.memory_space<vmem>>
      %dma_start3A_81 = arith.constant 0 : i32
      %dma_start3A_82 = arith.constant 0 : i32
      %dma_start3A_83 = tpu.memref_slice %arg18[%dma_start3A_81, %dma_start3A_82] : memref<9456x64xbf16, #tpu.memory_space<vmem_shared>> -> memref<9456x64xbf16, #tpu.memory_space<vmem_shared>>
      tpu.enqueue_indirect_dma source(%dma_start3A_83 : memref<9456x64xbf16, #tpu.memory_space<vmem_shared>>) target(%arg26 : memref<128x64xbf16, #tpu.memory_space<vmem>>) offsets(%dma_start3A_80 : memref<128xi32, #tpu.memory_space<vmem>>) semaphore(%arg37 : memref<!tpu.dma_semaphore, #tpu.memory_space<semaphore_mem>>) {add = true}
      %dma_start3A_84 = arith.constant 0 : i32
      %dma_start3A_85 = tpu.memref_slice %arg15[%add3A_65, %dma_start3A_84] : memref<50x128xi32, #tpu.memory_space<vmem>> -> memref<1x128xi32, #tpu.memory_space<vmem>>
      %dma_start3A_86 = tpu.memref_squeeze %dma_start3A_85 : memref<1x128xi32, #tpu.memory_space<vmem>> -> memref<128xi32, #tpu.memory_space<vmem>>
      %dma_start3A_87 = arith.constant 0 : i32
      %dma_start3A_88 = arith.constant 0 : i32
      %dma_start3A_89 = tpu.memref_slice %arg19[%dma_start3A_87, %dma_start3A_88] : memref<914x64xbf16, #tpu.memory_space<vmem_shared>> -> memref<914x64xbf16, #tpu.memory_space<vmem_shared>>
      tpu.enqueue_indirect_dma source(%dma_start3A_89 : memref<914x64xbf16, #tpu.memory_space<vmem_shared>>) target(%arg26 : memref<128x64xbf16, #tpu.memory_space<vmem>>) offsets(%dma_start3A_86 : memref<128xi32, #tpu.memory_space<vmem>>) semaphore(%arg37 : memref<!tpu.dma_semaphore, #tpu.memory_space<semaphore_mem>>) {add = true}
      %dma_start3A_90 = arith.constant 0 : i32
      %dma_start3A_91 = tpu.memref_slice %arg16[%add3A_65, %dma_start3A_90] : memref<50x128xi32, #tpu.memory_space<vmem>> -> memref<1x128xi32, #tpu.memory_space<vmem>>
      %dma_start3A_92 = tpu.memref_squeeze %dma_start3A_91 : memref<1x128xi32, #tpu.memory_space<vmem>> -> memref<128xi32, #tpu.memory_space<vmem>>
      %dma_start3A_93 = arith.constant 0 : i32
      %dma_start3A_94 = arith.constant 0 : i32
      %dma_start3A_95 = tpu.memref_slice %arg20[%dma_start3A_93, %dma_start3A_94] : memref<11x64xbf16, #tpu.memory_space<vmem_shared>> -> memref<11x64xbf16, #tpu.memory_space<vmem_shared>>
      tpu.enqueue_indirect_dma source(%dma_start3A_95 : memref<11x64xbf16, #tpu.memory_space<vmem_shared>>) target(%arg26 : memref<128x64xbf16, #tpu.memory_space<vmem>>) offsets(%dma_start3A_92 : memref<128xi32, #tpu.memory_space<vmem>>) semaphore(%arg37 : memref<!tpu.dma_semaphore, #tpu.memory_space<semaphore_mem>>) {add = true}
      %dma_wait3A_96 = arith.constant 0 : i32
      %dma_wait3A_97 = tpu.memref_slice %arg13[%mul3A_61, %dma_wait3A_96] : memref<50x128xi32, #tpu.memory_space<vmem>> -> memref<1x128xi32, #tpu.memory_space<vmem>>
      %dma_wait3A_98 = tpu.memref_squeeze %dma_wait3A_97 : memref<1x128xi32, #tpu.memory_space<vmem>> -> memref<128xi32, #tpu.memory_space<vmem>>
      %dma_wait3A_99 = arith.constant 0 : i32
      %dma_wait3A_100 = arith.constant 0 : i32
      %dma_wait3A_101 = tpu.memref_slice %arg17[%dma_wait3A_99, %dma_wait3A_100] : memref<1539x64xbf16, #tpu.memory_space<vmem_shared>> -> memref<1539x64xbf16, #tpu.memory_space<vmem_shared>>
      tpu.wait_indirect_dma semaphore(%arg36 : memref<!tpu.dma_semaphore, #tpu.memory_space<semaphore_mem>>) src(%dma_wait3A_101 : memref<1539x64xbf16, #tpu.memory_space<vmem_shared>>) dst(%arg21 : memref<128x64xbf16, #tpu.memory_space<vmem>>)
      %dma_wait3A_102 = arith.constant 0 : i32
      %dma_wait3A_103 = tpu.memref_slice %arg14[%mul3A_61, %dma_wait3A_102] : memref<50x128xi32, #tpu.memory_space<vmem>> -> memref<1x128xi32, #tpu.memory_space<vmem>>
      %dma_wait3A_104 = tpu.memref_squeeze %dma_wait3A_103 : memref<1x128xi32, #tpu.memory_space<vmem>> -> memref<128xi32, #tpu.memory_space<vmem>>
      %dma_wait3A_105 = arith.constant 0 : i32
      %dma_wait3A_106 = arith.constant 0 : i32
      %dma_wait3A_107 = tpu.memref_slice %arg18[%dma_wait3A_105, %dma_wait3A_106] : memref<9456x64xbf16, #tpu.memory_space<vmem_shared>> -> memref<9456x64xbf16, #tpu.memory_space<vmem_shared>>
      tpu.wait_indirect_dma semaphore(%arg36 : memref<!tpu.dma_semaphore, #tpu.memory_space<semaphore_mem>>) src(%dma_wait3A_107 : memref<9456x64xbf16, #tpu.memory_space<vmem_shared>>) dst(%arg21 : memref<128x64xbf16, #tpu.memory_space<vmem>>)
      %dma_wait3A_108 = arith.constant 0 : i32
      %dma_wait3A_109 = tpu.memref_slice %arg15[%mul3A_61, %dma_wait3A_108] : memref<50x128xi32, #tpu.memory_space<vmem>> -> memref<1x128xi32, #tpu.memory_space<vmem>>
      %dma_wait3A_110 = tpu.memref_squeeze %dma_wait3A_109 : memref<1x128xi32, #tpu.memory_space<vmem>> -> memref<128xi32, #tpu.memory_space<vmem>>
      %dma_wait3A_111 = arith.constant 0 : i32
      %dma_wait3A_112 = arith.constant 0 : i32
      %dma_wait3A_113 = tpu.memref_slice %arg19[%dma_wait3A_111, %dma_wait3A_112] : memref<914x64xbf16, #tpu.memory_space<vmem_shared>> -> memref<914x64xbf16, #tpu.memory_space<vmem_shared>>
      tpu.wait_indirect_dma semaphore(%arg36 : memref<!tpu.dma_semaphore, #tpu.memory_space<semaphore_mem>>) src(%dma_wait3A_113 : memref<914x64xbf16, #tpu.memory_space<vmem_shared>>) dst(%arg21 : memref<128x64xbf16, #tpu.memory_space<vmem>>)
      %dma_wait3A_114 = arith.constant 0 : i32
      %dma_wait3A_115 = tpu.memref_slice %arg16[%mul3A_61, %dma_wait3A_114] : memref<50x128xi32, #tpu.memory_space<vmem>> -> memref<1x128xi32, #tpu.memory_space<vmem>>
      %dma_wait3A_116 = tpu.memref_squeeze %dma_wait3A_115 : memref<1x128xi32, #tpu.memory_space<vmem>> -> memref<128xi32, #tpu.memory_space<vmem>>
      %dma_wait3A_117 = arith.constant 0 : i32
      %dma_wait3A_118 = arith.constant 0 : i32
      %dma_wait3A_119 = tpu.memref_slice %arg20[%dma_wait3A_117, %dma_wait3A_118] : memref<11x64xbf16, #tpu.memory_space<vmem_shared>> -> memref<11x64xbf16, #tpu.memory_space<vmem_shared>>
      tpu.wait_indirect_dma semaphore(%arg36 : memref<!tpu.dma_semaphore, #tpu.memory_space<semaphore_mem>>) src(%dma_wait3A_119 : memref<11x64xbf16, #tpu.memory_space<vmem_shared>>) dst(%arg21 : memref<128x64xbf16, #tpu.memory_space<vmem>>)
      %gt3A = arith.constant 0 : i32
      %gt3A_120 = arith.cmpi sgt, %scan3A_59, %gt3A : i32
      %convert_element_type3A_121 = arith.extui %gt3A_120 : i1 to i32
      %cond3A_122 = arith.constant 0 : i32
      %cond3A_123 = arith.cmpi ne, %convert_element_type3A_121, %cond3A_122 : i32
      scf.if %cond3A_123 {
        %dma_wait3A_183 = arith.constant 0 : i32
        %dma_wait3A_184 = tpu.memref_slice %arg11[%mul3A_7, %dma_wait3A_183] : memref<102400x128xf32, #tpu.memory_space<hbm>> -> memref<64x128xf32, #tpu.memory_space<hbm>>
        %dma_wait3A_185 = arith.constant 0 : i32
        %dma_wait3A_186 = tpu.memref_slice %arg11[%mul3A_7, %dma_wait3A_185] : memref<102400x128xf32, #tpu.memory_space<hbm>> -> memref<64x128xf32, #tpu.memory_space<hbm>>
        tpu.wait_dma2 semaphore(%arg38 : memref<!tpu.dma_semaphore, #tpu.memory_space<semaphore_mem>>) src(%arg25 : memref<64x128xf32, #tpu.memory_space<vmem>>) dst(%dma_wait3A_186 : memref<64x128xf32, #tpu.memory_space<hbm>>)
      } else {
      }
      %scan3A_124 = arith.constant 0 : i32
      %scan3A_125 = arith.constant 0 : i32
      %scan3A_126 = arith.constant 32 : i32
      %scan3A_127 = arith.addi %scan3A_125, %scan3A_126 : i32
      %scan3A_128 = arith.constant 1 : i32
      scf.for %scan3A_183 = %scan3A_125 to %scan3A_127 step %scan3A_128  : i32 {
        %mul3A_184 = arith.constant 2 : i32
        %mul3A_185 = arith.muli %scan3A_183, %mul3A_184 : i32
        %add3A_186 = arith.constant 0 : i32
        %add3A_187 = arith.addi %mul3A_185, %add3A_186 : i32
        %add3A_188 = arith.constant 0 : i32
        %add3A_189 = arith.addi %add3A_187, %add3A_188 : i32
        %get3A = arith.index_cast %add3A_189 : i32 to index
        %get3A_190 = arith.constant 0 : index
        %get3A_191 = tpu.vector_load %arg21[%get3A, %get3A_190] {strides = array<i32>} : memref<128x64xbf16, #tpu.memory_space<vmem>>, vector<32xbf16>,
        %bitcast3A = vector.bitcast %get3A_191 : vector<32xbf16> to vector<16xi32>
        %shift_left3A = arith.constant 16 : i32
        %shift_left3A_192 = vector.broadcast %shift_left3A : i32 to vector<16xi32>
        %shift_left3A_193 = arith.shli %bitcast3A, %shift_left3A_192 : vector<16xi32>
        %bitcast3A_194 = vector.bitcast %shift_left3A_193 : vector<16xi32> to vector<16xf32>
        %and3A = arith.constant -65536 : i32
        %and3A_195 = vector.broadcast %and3A : i32 to vector<16xi32>
        %and3A_196 = arith.andi %bitcast3A, %and3A_195 : vector<16xi32>
        %bitcast3A_197 = vector.bitcast %and3A_196 : vector<16xi32> to vector<16xf32>
        %swap3A = arith.index_cast %add3A_187 : i32 to index
        %swap3A_198 = arith.constant 0 : index
        %swap3A_199 = tpu.vector_load %arg25[%swap3A, %swap3A_198] {strides = array<i32>} : memref<64x128xf32, #tpu.memory_space<vmem>>, vector<16xf32>,
        tpu.vector_store %arg25[%swap3A, %swap3A_198], %bitcast3A_194 {strides = array<i32>} : memref<64x128xf32, #tpu.memory_space<vmem>>, vector<16xf32>,
        %swap3A_200 = arith.index_cast %add3A_187 : i32 to index
        %swap3A_201 = arith.constant 16 : index
        %swap3A_202 = tpu.vector_load %arg25[%swap3A_200, %swap3A_201] {strides = array<i32>} : memref<64x128xf32, #tpu.memory_space<vmem>>, vector<16xf32>,
        tpu.vector_store %arg25[%swap3A_200, %swap3A_201], %bitcast3A_197 {strides = array<i32>} : memref<64x128xf32, #tpu.memory_space<vmem>>, vector<16xf32>,
        %get3A_203 = arith.index_cast %add3A_189 : i32 to index
        %get3A_204 = arith.constant 32 : index
        %get3A_205 = tpu.vector_load %arg21[%get3A_203, %get3A_204] {strides = array<i32>} : memref<128x64xbf16, #tpu.memory_space<vmem>>, vector<32xbf16>,
        %bitcast3A_206 = vector.bitcast %get3A_205 : vector<32xbf16> to vector<16xi32>
        %shift_left3A_207 = arith.constant 16 : i32
        %shift_left3A_208 = vector.broadcast %shift_left3A_207 : i32 to vector<16xi32>
        %shift_left3A_209 = arith.shli %bitcast3A_206, %shift_left3A_208 : vector<16xi32>
        %bitcast3A_210 = vector.bitcast %shift_left3A_209 : vector<16xi32> to vector<16xf32>
        %and3A_211 = arith.constant -65536 : i32
        %and3A_212 = vector.broadcast %and3A_211 : i32 to vector<16xi32>
        %and3A_213 = arith.andi %bitcast3A_206, %and3A_212 : vector<16xi32>
        %bitcast3A_214 = vector.bitcast %and3A_213 : vector<16xi32> to vector<16xf32>
        %swap3A_215 = arith.index_cast %add3A_187 : i32 to index
        %swap3A_216 = arith.constant 32 : index
        %swap3A_217 = tpu.vector_load %arg25[%swap3A_215, %swap3A_216] {strides = array<i32>} : memref<64x128xf32, #tpu.memory_space<vmem>>, vector<16xf32>,
        tpu.vector_store %arg25[%swap3A_215, %swap3A_216], %bitcast3A_210 {strides = array<i32>} : memref<64x128xf32, #tpu.memory_space<vmem>>, vector<16xf32>,
        %swap3A_218 = arith.index_cast %add3A_187 : i32 to index
        %swap3A_219 = arith.constant 48 : index
        %swap3A_220 = tpu.vector_load %arg25[%swap3A_218, %swap3A_219] {strides = array<i32>} : memref<64x128xf32, #tpu.memory_space<vmem>>, vector<16xf32>,
        tpu.vector_store %arg25[%swap3A_218, %swap3A_219], %bitcast3A_214 {strides = array<i32>} : memref<64x128xf32, #tpu.memory_space<vmem>>, vector<16xf32>,
        %add3A_221 = arith.constant 64 : i32
        %add3A_222 = arith.addi %add3A_187, %add3A_221 : i32
        %get3A_223 = arith.index_cast %add3A_222 : i32 to index
        %get3A_224 = arith.constant 0 : index
        %get3A_225 = tpu.vector_load %arg21[%get3A_223, %get3A_224] {strides = array<i32>} : memref<128x64xbf16, #tpu.memory_space<vmem>>, vector<32xbf16>,
        %bitcast3A_226 = vector.bitcast %get3A_225 : vector<32xbf16> to vector<16xi32>
        %shift_left3A_227 = arith.constant 16 : i32
        %shift_left3A_228 = vector.broadcast %shift_left3A_227 : i32 to vector<16xi32>
        %shift_left3A_229 = arith.shli %bitcast3A_226, %shift_left3A_228 : vector<16xi32>
        %bitcast3A_230 = vector.bitcast %shift_left3A_229 : vector<16xi32> to vector<16xf32>
        %and3A_231 = arith.constant -65536 : i32
        %and3A_232 = vector.broadcast %and3A_231 : i32 to vector<16xi32>
        %and3A_233 = arith.andi %bitcast3A_226, %and3A_232 : vector<16xi32>
        %bitcast3A_234 = vector.bitcast %and3A_233 : vector<16xi32> to vector<16xf32>
        %swap3A_235 = arith.index_cast %add3A_187 : i32 to index
        %swap3A_236 = arith.constant 64 : index
        %swap3A_237 = tpu.vector_load %arg25[%swap3A_235, %swap3A_236] {strides = array<i32>} : memref<64x128xf32, #tpu.memory_space<vmem>>, vector<16xf32>,
        tpu.vector_store %arg25[%swap3A_235, %swap3A_236], %bitcast3A_230 {strides = array<i32>} : memref<64x128xf32, #tpu.memory_space<vmem>>, vector<16xf32>,
        %swap3A_238 = arith.index_cast %add3A_187 : i32 to index
        %swap3A_239 = arith.constant 80 : index
        %swap3A_240 = tpu.vector_load %arg25[%swap3A_238, %swap3A_239] {strides = array<i32>} : memref<64x128xf32, #tpu.memory_space<vmem>>, vector<16xf32>,
        tpu.vector_store %arg25[%swap3A_238, %swap3A_239], %bitcast3A_234 {strides = array<i32>} : memref<64x128xf32, #tpu.memory_space<vmem>>, vector<16xf32>,
        %get3A_241 = arith.index_cast %add3A_222 : i32 to index
        %get3A_242 = arith.constant 32 : index
        %get3A_243 = tpu.vector_load %arg21[%get3A_241, %get3A_242] {strides = array<i32>} : memref<128x64xbf16, #tpu.memory_space<vmem>>, vector<32xbf16>,
        %bitcast3A_244 = vector.bitcast %get3A_243 : vector<32xbf16> to vector<16xi32>
        %shift_left3A_245 = arith.constant 16 : i32
        %shift_left3A_246 = vector.broadcast %shift_left3A_245 : i32 to vector<16xi32>
        %shift_left3A_247 = arith.shli %bitcast3A_244, %shift_left3A_246 : vector<16xi32>
        %bitcast3A_248 = vector.bitcast %shift_left3A_247 : vector<16xi32> to vector<16xf32>
        %and3A_249 = arith.constant -65536 : i32
        %and3A_250 = vector.broadcast %and3A_249 : i32 to vector<16xi32>
        %and3A_251 = arith.andi %bitcast3A_244, %and3A_250 : vector<16xi32>
        %bitcast3A_252 = vector.bitcast %and3A_251 : vector<16xi32> to vector<16xf32>
        %swap3A_253 = arith.index_cast %add3A_187 : i32 to index
        %swap3A_254 = arith.constant 96 : index
        %swap3A_255 = tpu.vector_load %arg25[%swap3A_253, %swap3A_254] {strides = array<i32>} : memref<64x128xf32, #tpu.memory_space<vmem>>, vector<16xf32>,
        tpu.vector_store %arg25[%swap3A_253, %swap3A_254], %bitcast3A_248 {strides = array<i32>} : memref<64x128xf32, #tpu.memory_space<vmem>>, vector<16xf32>,
        %swap3A_256 = arith.index_cast %add3A_187 : i32 to index
        %swap3A_257 = arith.constant 112 : index
        %swap3A_258 = tpu.vector_load %arg25[%swap3A_256, %swap3A_257] {strides = array<i32>} : memref<64x128xf32, #tpu.memory_space<vmem>>, vector<16xf32>,
        tpu.vector_store %arg25[%swap3A_256, %swap3A_257], %bitcast3A_252 {strides = array<i32>} : memref<64x128xf32, #tpu.memory_space<vmem>>, vector<16xf32>,
        %mul3A_259 = arith.constant 2 : i32
        %mul3A_260 = arith.muli %scan3A_183, %mul3A_259 : i32
        %add3A_261 = arith.constant 1 : i32
        %add3A_262 = arith.addi %mul3A_260, %add3A_261 : i32
        %add3A_263 = arith.constant 0 : i32
        %add3A_264 = arith.addi %add3A_262, %add3A_263 : i32
        %get3A_265 = arith.index_cast %add3A_264 : i32 to index
        %get3A_266 = arith.constant 0 : index
        %get3A_267 = tpu.vector_load %arg21[%get3A_265, %get3A_266] {strides = array<i32>} : memref<128x64xbf16, #tpu.memory_space<vmem>>, vector<32xbf16>,
        %bitcast3A_268 = vector.bitcast %get3A_267 : vector<32xbf16> to vector<16xi32>
        %shift_left3A_269 = arith.constant 16 : i32
        %shift_left3A_270 = vector.broadcast %shift_left3A_269 : i32 to vector<16xi32>
        %shift_left3A_271 = arith.shli %bitcast3A_268, %shift_left3A_270 : vector<16xi32>
        %bitcast3A_272 = vector.bitcast %shift_left3A_271 : vector<16xi32> to vector<16xf32>
        %and3A_273 = arith.constant -65536 : i32
        %and3A_274 = vector.broadcast %and3A_273 : i32 to vector<16xi32>
        %and3A_275 = arith.andi %bitcast3A_268, %and3A_274 : vector<16xi32>
        %bitcast3A_276 = vector.bitcast %and3A_275 : vector<16xi32> to vector<16xf32>
        %swap3A_277 = arith.index_cast %add3A_262 : i32 to index
        %swap3A_278 = arith.constant 0 : index
        %swap3A_279 = tpu.vector_load %arg25[%swap3A_277, %swap3A_278] {strides = array<i32>} : memref<64x128xf32, #tpu.memory_space<vmem>>, vector<16xf32>,
        tpu.vector_store %arg25[%swap3A_277, %swap3A_278], %bitcast3A_272 {strides = array<i32>} : memref<64x128xf32, #tpu.memory_space<vmem>>, vector<16xf32>,
        %swap3A_280 = arith.index_cast %add3A_262 : i32 to index
        %swap3A_281 = arith.constant 16 : index
        %swap3A_282 = tpu.vector_load %arg25[%swap3A_280, %swap3A_281] {strides = array<i32>} : memref<64x128xf32, #tpu.memory_space<vmem>>, vector<16xf32>,
        tpu.vector_store %arg25[%swap3A_280, %swap3A_281], %bitcast3A_276 {strides = array<i32>} : memref<64x128xf32, #tpu.memory_space<vmem>>, vector<16xf32>,
        %get3A_283 = arith.index_cast %add3A_264 : i32 to index
        %get3A_284 = arith.constant 32 : index
        %get3A_285 = tpu.vector_load %arg21[%get3A_283, %get3A_284] {strides = array<i32>} : memref<128x64xbf16, #tpu.memory_space<vmem>>, vector<32xbf16>,
        %bitcast3A_286 = vector.bitcast %get3A_285 : vector<32xbf16> to vector<16xi32>
        %shift_left3A_287 = arith.constant 16 : i32
        %shift_left3A_288 = vector.broadcast %shift_left3A_287 : i32 to vector<16xi32>
        %shift_left3A_289 = arith.shli %bitcast3A_286, %shift_left3A_288 : vector<16xi32>
        %bitcast3A_290 = vector.bitcast %shift_left3A_289 : vector<16xi32> to vector<16xf32>
        %and3A_291 = arith.constant -65536 : i32
        %and3A_292 = vector.broadcast %and3A_291 : i32 to vector<16xi32>
        %and3A_293 = arith.andi %bitcast3A_286, %and3A_292 : vector<16xi32>
        %bitcast3A_294 = vector.bitcast %and3A_293 : vector<16xi32> to vector<16xf32>
        %swap3A_295 = arith.index_cast %add3A_262 : i32 to index
        %swap3A_296 = arith.constant 32 : index
        %swap3A_297 = tpu.vector_load %arg25[%swap3A_295, %swap3A_296] {strides = array<i32>} : memref<64x128xf32, #tpu.memory_space<vmem>>, vector<16xf32>,
        tpu.vector_store %arg25[%swap3A_295, %swap3A_296], %bitcast3A_290 {strides = array<i32>} : memref<64x128xf32, #tpu.memory_space<vmem>>, vector<16xf32>,
        %swap3A_298 = arith.index_cast %add3A_262 : i32 to index
        %swap3A_299 = arith.constant 48 : index
        %swap3A_300 = tpu.vector_load %arg25[%swap3A_298, %swap3A_299] {strides = array<i32>} : memref<64x128xf32, #tpu.memory_space<vmem>>, vector<16xf32>,
        tpu.vector_store %arg25[%swap3A_298, %swap3A_299], %bitcast3A_294 {strides = array<i32>} : memref<64x128xf32, #tpu.memory_space<vmem>>, vector<16xf32>,
        %add3A_301 = arith.constant 64 : i32
        %add3A_302 = arith.addi %add3A_262, %add3A_301 : i32
        %get3A_303 = arith.index_cast %add3A_302 : i32 to index
        %get3A_304 = arith.constant 0 : index
        %get3A_305 = tpu.vector_load %arg21[%get3A_303, %get3A_304] {strides = array<i32>} : memref<128x64xbf16, #tpu.memory_space<vmem>>, vector<32xbf16>,
        %bitcast3A_306 = vector.bitcast %get3A_305 : vector<32xbf16> to vector<16xi32>
        %shift_left3A_307 = arith.constant 16 : i32
        %shift_left3A_308 = vector.broadcast %shift_left3A_307 : i32 to vector<16xi32>
        %shift_left3A_309 = arith.shli %bitcast3A_306, %shift_left3A_308 : vector<16xi32>
        %bitcast3A_310 = vector.bitcast %shift_left3A_309 : vector<16xi32> to vector<16xf32>
        %and3A_311 = arith.constant -65536 : i32
        %and3A_312 = vector.broadcast %and3A_311 : i32 to vector<16xi32>
        %and3A_313 = arith.andi %bitcast3A_306, %and3A_312 : vector<16xi32>
        %bitcast3A_314 = vector.bitcast %and3A_313 : vector<16xi32> to vector<16xf32>
        %swap3A_315 = arith.index_cast %add3A_262 : i32 to index
        %swap3A_316 = arith.constant 64 : index
        %swap3A_317 = tpu.vector_load %arg25[%swap3A_315, %swap3A_316] {strides = array<i32>} : memref<64x128xf32, #tpu.memory_space<vmem>>, vector<16xf32>,
        tpu.vector_store %arg25[%swap3A_315, %swap3A_316], %bitcast3A_310 {strides = array<i32>} : memref<64x128xf32, #tpu.memory_space<vmem>>, vector<16xf32>,
        %swap3A_318 = arith.index_cast %add3A_262 : i32 to index
        %swap3A_319 = arith.constant 80 : index
        %swap3A_320 = tpu.vector_load %arg25[%swap3A_318, %swap3A_319] {strides = array<i32>} : memref<64x128xf32, #tpu.memory_space<vmem>>, vector<16xf32>,
        tpu.vector_store %arg25[%swap3A_318, %swap3A_319], %bitcast3A_314 {strides = array<i32>} : memref<64x128xf32, #tpu.memory_space<vmem>>, vector<16xf32>,
        %get3A_321 = arith.index_cast %add3A_302 : i32 to index
        %get3A_322 = arith.constant 32 : index
        %get3A_323 = tpu.vector_load %arg21[%get3A_321, %get3A_322] {strides = array<i32>} : memref<128x64xbf16, #tpu.memory_space<vmem>>, vector<32xbf16>,
        %bitcast3A_324 = vector.bitcast %get3A_323 : vector<32xbf16> to vector<16xi32>
        %shift_left3A_325 = arith.constant 16 : i32
        %shift_left3A_326 = vector.broadcast %shift_left3A_325 : i32 to vector<16xi32>
        %shift_left3A_327 = arith.shli %bitcast3A_324, %shift_left3A_326 : vector<16xi32>
        %bitcast3A_328 = vector.bitcast %shift_left3A_327 : vector<16xi32> to vector<16xf32>
        %and3A_329 = arith.constant -65536 : i32
        %and3A_330 = vector.broadcast %and3A_329 : i32 to vector<16xi32>
        %and3A_331 = arith.andi %bitcast3A_324, %and3A_330 : vector<16xi32>
        %bitcast3A_332 = vector.bitcast %and3A_331 : vector<16xi32> to vector<16xf32>
        %swap3A_333 = arith.index_cast %add3A_262 : i32 to index
        %swap3A_334 = arith.constant 96 : index
        %swap3A_335 = tpu.vector_load %arg25[%swap3A_333, %swap3A_334] {strides = array<i32>} : memref<64x128xf32, #tpu.memory_space<vmem>>, vector<16xf32>,
        tpu.vector_store %arg25[%swap3A_333, %swap3A_334], %bitcast3A_328 {strides = array<i32>} : memref<64x128xf32, #tpu.memory_space<vmem>>, vector<16xf32>,
        %swap3A_336 = arith.index_cast %add3A_262 : i32 to index
        %swap3A_337 = arith.constant 112 : index
        %swap3A_338 = tpu.vector_load %arg25[%swap3A_336, %swap3A_337] {strides = array<i32>} : memref<64x128xf32, #tpu.memory_space<vmem>>, vector<16xf32>,
        tpu.vector_store %arg25[%swap3A_336, %swap3A_337], %bitcast3A_332 {strides = array<i32>} : memref<64x128xf32, #tpu.memory_space<vmem>>, vector<16xf32>,
      }
      %scan3A_129 = arith.constant 32 : i32
      %mul3A_130 = arith.constant 64 : i32
      %mul3A_131 = arith.muli %mul3A_61, %mul3A_130 : i32
      %add3A_132 = arith.addi %mul3A_7, %mul3A_131 : i32
      %dma_start3A_133 = arith.constant 0 : i32
      %dma_start3A_134 = tpu.memref_slice %arg11[%add3A_132, %dma_start3A_133] : memref<102400x128xf32, #tpu.memory_space<hbm>> -> memref<64x128xf32, #tpu.memory_space<hbm>>
      %dma_start3A_135 = arith.constant 0 : i32
      %dma_start3A_136 = tpu.memref_slice %arg11[%add3A_132, %dma_start3A_135] : memref<102400x128xf32, #tpu.memory_space<hbm>> -> memref<64x128xf32, #tpu.memory_space<hbm>>
      tpu.enqueue_dma source(%arg25 : memref<64x128xf32, #tpu.memory_space<vmem>>) target(%dma_start3A_136 : memref<64x128xf32, #tpu.memory_space<hbm>>) target_semaphore(%arg38 : memref<!tpu.dma_semaphore, #tpu.memory_space<semaphore_mem>>)
      %lt3A = arith.constant 24 : i32
      %lt3A_137 = arith.cmpi slt, %scan3A_59, %lt3A : i32
      %convert_element_type3A_138 = arith.extui %lt3A_137 : i1 to i32
      %cond3A_139 = arith.constant 0 : i32
      %cond3A_140 = arith.cmpi ne, %convert_element_type3A_138, %cond3A_139 : i32
      scf.if %cond3A_140 {
        %scan3A_183 = arith.constant 0 : i32
        %scan3A_184 = arith.constant 0 : i32
        %scan3A_185 = arith.constant 32 : i32
        %scan3A_186 = arith.addi %scan3A_184, %scan3A_185 : i32
        %scan3A_187 = arith.constant 1 : i32
        scf.for %scan3A_215 = %scan3A_184 to %scan3A_186 step %scan3A_187  : i32 {
          %mul3A_216 = arith.constant 4 : i32
          %mul3A_217 = arith.muli %scan3A_215, %mul3A_216 : i32
          %add3A_218 = arith.constant 0 : i32
          %add3A_219 = arith.addi %mul3A_217, %add3A_218 : i32
          %swap3A = arith.index_cast %add3A_219 : i32 to index
          %swap3A_220 = arith.constant 0 : index
          %swap3A_221 = tpu.vector_load %arg21[%swap3A, %swap3A_220] {strides = array<i32>} : memref<128x64xbf16, #tpu.memory_space<vmem>>, vector<32xbf16>,
          tpu.vector_store %arg21[%swap3A, %swap3A_220], %broadcast_in_dim3A_5 {strides = array<i32>} : memref<128x64xbf16, #tpu.memory_space<vmem>>, vector<32xbf16>,
          %mul3A_222 = arith.constant 4 : i32
          %mul3A_223 = arith.muli %scan3A_215, %mul3A_222 : i32
          %add3A_224 = arith.constant 0 : i32
          %add3A_225 = arith.addi %mul3A_223, %add3A_224 : i32
          %swap3A_226 = arith.index_cast %add3A_225 : i32 to index
          %swap3A_227 = arith.constant 32 : index
          %swap3A_228 = tpu.vector_load %arg21[%swap3A_226, %swap3A_227] {strides = array<i32>} : memref<128x64xbf16, #tpu.memory_space<vmem>>, vector<32xbf16>,
          tpu.vector_store %arg21[%swap3A_226, %swap3A_227], %broadcast_in_dim3A_5 {strides = array<i32>} : memref<128x64xbf16, #tpu.memory_space<vmem>>, vector<32xbf16>,
          %mul3A_229 = arith.constant 4 : i32
          %mul3A_230 = arith.muli %scan3A_215, %mul3A_229 : i32
          %add3A_231 = arith.constant 1 : i32
          %add3A_232 = arith.addi %mul3A_230, %add3A_231 : i32
          %swap3A_233 = arith.index_cast %add3A_232 : i32 to index
          %swap3A_234 = arith.constant 0 : index
          %swap3A_235 = tpu.vector_load %arg21[%swap3A_233, %swap3A_234] {strides = array<i32>} : memref<128x64xbf16, #tpu.memory_space<vmem>>, vector<32xbf16>,
          tpu.vector_store %arg21[%swap3A_233, %swap3A_234], %broadcast_in_dim3A_5 {strides = array<i32>} : memref<128x64xbf16, #tpu.memory_space<vmem>>, vector<32xbf16>,
          %mul3A_236 = arith.constant 4 : i32
          %mul3A_237 = arith.muli %scan3A_215, %mul3A_236 : i32
          %add3A_238 = arith.constant 1 : i32
          %add3A_239 = arith.addi %mul3A_237, %add3A_238 : i32
          %swap3A_240 = arith.index_cast %add3A_239 : i32 to index
          %swap3A_241 = arith.constant 32 : index
          %swap3A_242 = tpu.vector_load %arg21[%swap3A_240, %swap3A_241] {strides = array<i32>} : memref<128x64xbf16, #tpu.memory_space<vmem>>, vector<32xbf16>,
          tpu.vector_store %arg21[%swap3A_240, %swap3A_241], %broadcast_in_dim3A_5 {strides = array<i32>} : memref<128x64xbf16, #tpu.memory_space<vmem>>, vector<32xbf16>,
          %mul3A_243 = arith.constant 4 : i32
          %mul3A_244 = arith.muli %scan3A_215, %mul3A_243 : i32
          %add3A_245 = arith.constant 2 : i32
          %add3A_246 = arith.addi %mul3A_244, %add3A_245 : i32
          %swap3A_247 = arith.index_cast %add3A_246 : i32 to index
          %swap3A_248 = arith.constant 0 : index
          %swap3A_249 = tpu.vector_load %arg21[%swap3A_247, %swap3A_248] {strides = array<i32>} : memref<128x64xbf16, #tpu.memory_space<vmem>>, vector<32xbf16>,
          tpu.vector_store %arg21[%swap3A_247, %swap3A_248], %broadcast_in_dim3A_5 {strides = array<i32>} : memref<128x64xbf16, #tpu.memory_space<vmem>>, vector<32xbf16>,
          %mul3A_250 = arith.constant 4 : i32
          %mul3A_251 = arith.muli %scan3A_215, %mul3A_250 : i32
          %add3A_252 = arith.constant 2 : i32
          %add3A_253 = arith.addi %mul3A_251, %add3A_252 : i32
          %swap3A_254 = arith.index_cast %add3A_253 : i32 to index
          %swap3A_255 = arith.constant 32 : index
          %swap3A_256 = tpu.vector_load %arg21[%swap3A_254, %swap3A_255] {strides = array<i32>} : memref<128x64xbf16, #tpu.memory_space<vmem>>, vector<32xbf16>,
          tpu.vector_store %arg21[%swap3A_254, %swap3A_255], %broadcast_in_dim3A_5 {strides = array<i32>} : memref<128x64xbf16, #tpu.memory_space<vmem>>, vector<32xbf16>,
          %mul3A_257 = arith.constant 4 : i32
          %mul3A_258 = arith.muli %scan3A_215, %mul3A_257 : i32
          %add3A_259 = arith.constant 3 : i32
          %add3A_260 = arith.addi %mul3A_258, %add3A_259 : i32
          %swap3A_261 = arith.index_cast %add3A_260 : i32 to index
          %swap3A_262 = arith.constant 0 : index
          %swap3A_263 = tpu.vector_load %arg21[%swap3A_261, %swap3A_262] {strides = array<i32>} : memref<128x64xbf16, #tpu.memory_space<vmem>>, vector<32xbf16>,
          tpu.vector_store %arg21[%swap3A_261, %swap3A_262], %broadcast_in_dim3A_5 {strides = array<i32>} : memref<128x64xbf16, #tpu.memory_space<vmem>>, vector<32xbf16>,
          %mul3A_264 = arith.constant 4 : i32
          %mul3A_265 = arith.muli %scan3A_215, %mul3A_264 : i32
          %add3A_266 = arith.constant 3 : i32
          %add3A_267 = arith.addi %mul3A_265, %add3A_266 : i32
          %swap3A_268 = arith.index_cast %add3A_267 : i32 to index
          %swap3A_269 = arith.constant 32 : index
          %swap3A_270 = tpu.vector_load %arg21[%swap3A_268, %swap3A_269] {strides = array<i32>} : memref<128x64xbf16, #tpu.memory_space<vmem>>, vector<32xbf16>,
          tpu.vector_store %arg21[%swap3A_268, %swap3A_269], %broadcast_in_dim3A_5 {strides = array<i32>} : memref<128x64xbf16, #tpu.memory_space<vmem>>, vector<32xbf16>,
        }
        %scan3A_188 = arith.constant 32 : i32
        %add3A_189 = arith.constant 2 : i32
        %add3A_190 = arith.addi %mul3A_61, %add3A_189 : i32
        %dma_start3A_191 = arith.constant 0 : i32
        %dma_start3A_192 = tpu.memref_slice %arg13[%add3A_190, %dma_start3A_191] : memref<50x128xi32, #tpu.memory_space<vmem>> -> memref<1x128xi32, #tpu.memory_space<vmem>>
        %dma_start3A_193 = tpu.memref_squeeze %dma_start3A_192 : memref<1x128xi32, #tpu.memory_space<vmem>> -> memref<128xi32, #tpu.memory_space<vmem>>
        %dma_start3A_194 = arith.constant 0 : i32
        %dma_start3A_195 = arith.constant 0 : i32
        %dma_start3A_196 = tpu.memref_slice %arg17[%dma_start3A_194, %dma_start3A_195] : memref<1539x64xbf16, #tpu.memory_space<vmem_shared>> -> memref<1539x64xbf16, #tpu.memory_space<vmem_shared>>
        tpu.enqueue_indirect_dma source(%dma_start3A_196 : memref<1539x64xbf16, #tpu.memory_space<vmem_shared>>) target(%arg21 : memref<128x64xbf16, #tpu.memory_space<vmem>>) offsets(%dma_start3A_193 : memref<128xi32, #tpu.memory_space<vmem>>) semaphore(%arg36 : memref<!tpu.dma_semaphore, #tpu.memory_space<semaphore_mem>>) {add = true}
        %dma_start3A_197 = arith.constant 0 : i32
        %dma_start3A_198 = tpu.memref_slice %arg14[%add3A_190, %dma_start3A_197] : memref<50x128xi32, #tpu.memory_space<vmem>> -> memref<1x128xi32, #tpu.memory_space<vmem>>
        %dma_start3A_199 = tpu.memref_squeeze %dma_start3A_198 : memref<1x128xi32, #tpu.memory_space<vmem>> -> memref<128xi32, #tpu.memory_space<vmem>>
        %dma_start3A_200 = arith.constant 0 : i32
        %dma_start3A_201 = arith.constant 0 : i32
        %dma_start3A_202 = tpu.memref_slice %arg18[%dma_start3A_200, %dma_start3A_201] : memref<9456x64xbf16, #tpu.memory_space<vmem_shared>> -> memref<9456x64xbf16, #tpu.memory_space<vmem_shared>>
        tpu.enqueue_indirect_dma source(%dma_start3A_202 : memref<9456x64xbf16, #tpu.memory_space<vmem_shared>>) target(%arg21 : memref<128x64xbf16, #tpu.memory_space<vmem>>) offsets(%dma_start3A_199 : memref<128xi32, #tpu.memory_space<vmem>>) semaphore(%arg36 : memref<!tpu.dma_semaphore, #tpu.memory_space<semaphore_mem>>) {add = true}
        %dma_start3A_203 = arith.constant 0 : i32
        %dma_start3A_204 = tpu.memref_slice %arg15[%add3A_190, %dma_start3A_203] : memref<50x128xi32, #tpu.memory_space<vmem>> -> memref<1x128xi32, #tpu.memory_space<vmem>>
        %dma_start3A_205 = tpu.memref_squeeze %dma_start3A_204 : memref<1x128xi32, #tpu.memory_space<vmem>> -> memref<128xi32, #tpu.memory_space<vmem>>
        %dma_start3A_206 = arith.constant 0 : i32
        %dma_start3A_207 = arith.constant 0 : i32
        %dma_start3A_208 = tpu.memref_slice %arg19[%dma_start3A_206, %dma_start3A_207] : memref<914x64xbf16, #tpu.memory_space<vmem_shared>> -> memref<914x64xbf16, #tpu.memory_space<vmem_shared>>
        tpu.enqueue_indirect_dma source(%dma_start3A_208 : memref<914x64xbf16, #tpu.memory_space<vmem_shared>>) target(%arg21 : memref<128x64xbf16, #tpu.memory_space<vmem>>) offsets(%dma_start3A_205 : memref<128xi32, #tpu.memory_space<vmem>>) semaphore(%arg36 : memref<!tpu.dma_semaphore, #tpu.memory_space<semaphore_mem>>) {add = true}
        %dma_start3A_209 = arith.constant 0 : i32
        %dma_start3A_210 = tpu.memref_slice %arg16[%add3A_190, %dma_start3A_209] : memref<50x128xi32, #tpu.memory_space<vmem>> -> memref<1x128xi32, #tpu.memory_space<vmem>>
        %dma_start3A_211 = tpu.memref_squeeze %dma_start3A_210 : memref<1x128xi32, #tpu.memory_space<vmem>> -> memref<128xi32, #tpu.memory_space<vmem>>
        %dma_start3A_212 = arith.constant 0 : i32
        %dma_start3A_213 = arith.constant 0 : i32
        %dma_start3A_214 = tpu.memref_slice %arg20[%dma_start3A_212, %dma_start3A_213] : memref<11x64xbf16, #tpu.memory_space<vmem_shared>> -> memref<11x64xbf16, #tpu.memory_space<vmem_shared>>
        tpu.enqueue_indirect_dma source(%dma_start3A_214 : memref<11x64xbf16, #tpu.memory_space<vmem_shared>>) target(%arg21 : memref<128x64xbf16, #tpu.memory_space<vmem>>) offsets(%dma_start3A_211 : memref<128xi32, #tpu.memory_space<vmem>>) semaphore(%arg36 : memref<!tpu.dma_semaphore, #tpu.memory_space<semaphore_mem>>) {add = true}
      } else {
      }
      %dma_wait3A_141 = arith.constant 0 : i32
      %dma_wait3A_142 = tpu.memref_slice %arg13[%add3A_65, %dma_wait3A_141] : memref<50x128xi32, #tpu.memory_space<vmem>> -> memref<1x128xi32, #tpu.memory_space<vmem>>
      %dma_wait3A_143 = tpu.memref_squeeze %dma_wait3A_142 : memref<1x128xi32, #tpu.memory_space<vmem>> -> memref<128xi32, #tpu.memory_space<vmem>>
      %dma_wait3A_144 = arith.constant 0 : i32
      %dma_wait3A_145 = arith.constant 0 : i32
      %dma_wait3A_146 = tpu.memref_slice %arg17[%dma_wait3A_144, %dma_wait3A_145] : memref<1539x64xbf16, #tpu.memory_space<vmem_shared>> -> memref<1539x64xbf16, #tpu.memory_space<vmem_shared>>
      tpu.wait_indirect_dma semaphore(%arg37 : memref<!tpu.dma_semaphore, #tpu.memory_space<semaphore_mem>>) src(%dma_wait3A_146 : memref<1539x64xbf16, #tpu.memory_space<vmem_shared>>) dst(%arg26 : memref<128x64xbf16, #tpu.memory_space<vmem>>)
      %dma_wait3A_147 = arith.constant 0 : i32
      %dma_wait3A_148 = tpu.memref_slice %arg14[%add3A_65, %dma_wait3A_147] : memref<50x128xi32, #tpu.memory_space<vmem>> -> memref<1x128xi32, #tpu.memory_space<vmem>>
      %dma_wait3A_149 = tpu.memref_squeeze %dma_wait3A_148 : memref<1x128xi32, #tpu.memory_space<vmem>> -> memref<128xi32, #tpu.memory_space<vmem>>
      %dma_wait3A_150 = arith.constant 0 : i32
      %dma_wait3A_151 = arith.constant 0 : i32
      %dma_wait3A_152 = tpu.memref_slice %arg18[%dma_wait3A_150, %dma_wait3A_151] : memref<9456x64xbf16, #tpu.memory_space<vmem_shared>> -> memref<9456x64xbf16, #tpu.memory_space<vmem_shared>>
      tpu.wait_indirect_dma semaphore(%arg37 : memref<!tpu.dma_semaphore, #tpu.memory_space<semaphore_mem>>) src(%dma_wait3A_152 : memref<9456x64xbf16, #tpu.memory_space<vmem_shared>>) dst(%arg26 : memref<128x64xbf16, #tpu.memory_space<vmem>>)
      %dma_wait3A_153 = arith.constant 0 : i32
      %dma_wait3A_154 = tpu.memref_slice %arg15[%add3A_65, %dma_wait3A_153] : memref<50x128xi32, #tpu.memory_space<vmem>> -> memref<1x128xi32, #tpu.memory_space<vmem>>
      %dma_wait3A_155 = tpu.memref_squeeze %dma_wait3A_154 : memref<1x128xi32, #tpu.memory_space<vmem>> -> memref<128xi32, #tpu.memory_space<vmem>>
      %dma_wait3A_156 = arith.constant 0 : i32
      %dma_wait3A_157 = arith.constant 0 : i32
      %dma_wait3A_158 = tpu.memref_slice %arg19[%dma_wait3A_156, %dma_wait3A_157] : memref<914x64xbf16, #tpu.memory_space<vmem_shared>> -> memref<914x64xbf16, #tpu.memory_space<vmem_shared>>
      tpu.wait_indirect_dma semaphore(%arg37 : memref<!tpu.dma_semaphore, #tpu.memory_space<semaphore_mem>>) src(%dma_wait3A_158 : memref<914x64xbf16, #tpu.memory_space<vmem_shared>>) dst(%arg26 : memref<128x64xbf16, #tpu.memory_space<vmem>>)
      %dma_wait3A_159 = arith.constant 0 : i32
      %dma_wait3A_160 = tpu.memref_slice %arg16[%add3A_65, %dma_wait3A_159] : memref<50x128xi32, #tpu.memory_space<vmem>> -> memref<1x128xi32, #tpu.memory_space<vmem>>
      %dma_wait3A_161 = tpu.memref_squeeze %dma_wait3A_160 : memref<1x128xi32, #tpu.memory_space<vmem>> -> memref<128xi32, #tpu.memory_space<vmem>>
      %dma_wait3A_162 = arith.constant 0 : i32
      %dma_wait3A_163 = arith.constant 0 : i32
      %dma_wait3A_164 = tpu.memref_slice %arg20[%dma_wait3A_162, %dma_wait3A_163] : memref<11x64xbf16, #tpu.memory_space<vmem_shared>> -> memref<11x64xbf16, #tpu.memory_space<vmem_shared>>
      tpu.wait_indirect_dma semaphore(%arg37 : memref<!tpu.dma_semaphore, #tpu.memory_space<semaphore_mem>>) src(%dma_wait3A_164 : memref<11x64xbf16, #tpu.memory_space<vmem_shared>>) dst(%arg26 : memref<128x64xbf16, #tpu.memory_space<vmem>>)
      %gt3A_165 = arith.constant 0 : i32
      %gt3A_166 = arith.cmpi sgt, %scan3A_59, %gt3A_165 : i32
      %convert_element_type3A_167 = arith.extui %gt3A_166 : i1 to i32
      %cond3A_168 = arith.constant 0 : i32
      %cond3A_169 = arith.cmpi ne, %convert_element_type3A_167, %cond3A_168 : i32
      scf.if %cond3A_169 {
        %dma_wait3A_183 = arith.constant 0 : i32
        %dma_wait3A_184 = tpu.memref_slice %arg11[%mul3A_7, %dma_wait3A_183] : memref<102400x128xf32, #tpu.memory_space<hbm>> -> memref<64x128xf32, #tpu.memory_space<hbm>>
        %dma_wait3A_185 = arith.constant 0 : i32
        %dma_wait3A_186 = tpu.memref_slice %arg11[%mul3A_7, %dma_wait3A_185] : memref<102400x128xf32, #tpu.memory_space<hbm>> -> memref<64x128xf32, #tpu.memory_space<hbm>>
        tpu.wait_dma2 semaphore(%arg39 : memref<!tpu.dma_semaphore, #tpu.memory_space<semaphore_mem>>) src(%arg30 : memref<64x128xf32, #tpu.memory_space<vmem>>) dst(%dma_wait3A_186 : memref<64x128xf32, #tpu.memory_space<hbm>>)
      } else {
      }
      %scan3A_170 = arith.constant 0 : i32
      %scan3A_171 = arith.constant 0 : i32
      %scan3A_172 = arith.constant 32 : i32
      %scan3A_173 = arith.addi %scan3A_171, %scan3A_172 : i32
      %scan3A_174 = arith.constant 1 : i32
      scf.for %scan3A_183 = %scan3A_171 to %scan3A_173 step %scan3A_174  : i32 {
        %mul3A_184 = arith.constant 2 : i32
        %mul3A_185 = arith.muli %scan3A_183, %mul3A_184 : i32
        %add3A_186 = arith.constant 0 : i32
        %add3A_187 = arith.addi %mul3A_185, %add3A_186 : i32
        %add3A_188 = arith.constant 0 : i32
        %add3A_189 = arith.addi %add3A_187, %add3A_188 : i32
        %get3A = arith.index_cast %add3A_189 : i32 to index
        %get3A_190 = arith.constant 0 : index
        %get3A_191 = tpu.vector_load %arg26[%get3A, %get3A_190] {strides = array<i32>} : memref<128x64xbf16, #tpu.memory_space<vmem>>, vector<32xbf16>,
        %bitcast3A = vector.bitcast %get3A_191 : vector<32xbf16> to vector<16xi32>
        %shift_left3A = arith.constant 16 : i32
        %shift_left3A_192 = vector.broadcast %shift_left3A : i32 to vector<16xi32>
        %shift_left3A_193 = arith.shli %bitcast3A, %shift_left3A_192 : vector<16xi32>
        %bitcast3A_194 = vector.bitcast %shift_left3A_193 : vector<16xi32> to vector<16xf32>
        %and3A = arith.constant -65536 : i32
        %and3A_195 = vector.broadcast %and3A : i32 to vector<16xi32>
        %and3A_196 = arith.andi %bitcast3A, %and3A_195 : vector<16xi32>
        %bitcast3A_197 = vector.bitcast %and3A_196 : vector<16xi32> to vector<16xf32>
        %swap3A = arith.index_cast %add3A_187 : i32 to index
        %swap3A_198 = arith.constant 0 : index
        %swap3A_199 = tpu.vector_load %arg30[%swap3A, %swap3A_198] {strides = array<i32>} : memref<64x128xf32, #tpu.memory_space<vmem>>, vector<16xf32>,
        tpu.vector_store %arg30[%swap3A, %swap3A_198], %bitcast3A_194 {strides = array<i32>} : memref<64x128xf32, #tpu.memory_space<vmem>>, vector<16xf32>,
        %swap3A_200 = arith.index_cast %add3A_187 : i32 to index
        %swap3A_201 = arith.constant 16 : index
        %swap3A_202 = tpu.vector_load %arg30[%swap3A_200, %swap3A_201] {strides = array<i32>} : memref<64x128xf32, #tpu.memory_space<vmem>>, vector<16xf32>,
        tpu.vector_store %arg30[%swap3A_200, %swap3A_201], %bitcast3A_197 {strides = array<i32>} : memref<64x128xf32, #tpu.memory_space<vmem>>, vector<16xf32>,
        %get3A_203 = arith.index_cast %add3A_189 : i32 to index
        %get3A_204 = arith.constant 32 : index
        %get3A_205 = tpu.vector_load %arg26[%get3A_203, %get3A_204] {strides = array<i32>} : memref<128x64xbf16, #tpu.memory_space<vmem>>, vector<32xbf16>,
        %bitcast3A_206 = vector.bitcast %get3A_205 : vector<32xbf16> to vector<16xi32>
        %shift_left3A_207 = arith.constant 16 : i32
        %shift_left3A_208 = vector.broadcast %shift_left3A_207 : i32 to vector<16xi32>
        %shift_left3A_209 = arith.shli %bitcast3A_206, %shift_left3A_208 : vector<16xi32>
        %bitcast3A_210 = vector.bitcast %shift_left3A_209 : vector<16xi32> to vector<16xf32>
        %and3A_211 = arith.constant -65536 : i32
        %and3A_212 = vector.broadcast %and3A_211 : i32 to vector<16xi32>
        %and3A_213 = arith.andi %bitcast3A_206, %and3A_212 : vector<16xi32>
        %bitcast3A_214 = vector.bitcast %and3A_213 : vector<16xi32> to vector<16xf32>
        %swap3A_215 = arith.index_cast %add3A_187 : i32 to index
        %swap3A_216 = arith.constant 32 : index
        %swap3A_217 = tpu.vector_load %arg30[%swap3A_215, %swap3A_216] {strides = array<i32>} : memref<64x128xf32, #tpu.memory_space<vmem>>, vector<16xf32>,
        tpu.vector_store %arg30[%swap3A_215, %swap3A_216], %bitcast3A_210 {strides = array<i32>} : memref<64x128xf32, #tpu.memory_space<vmem>>, vector<16xf32>,
        %swap3A_218 = arith.index_cast %add3A_187 : i32 to index
        %swap3A_219 = arith.constant 48 : index
        %swap3A_220 = tpu.vector_load %arg30[%swap3A_218, %swap3A_219] {strides = array<i32>} : memref<64x128xf32, #tpu.memory_space<vmem>>, vector<16xf32>,
        tpu.vector_store %arg30[%swap3A_218, %swap3A_219], %bitcast3A_214 {strides = array<i32>} : memref<64x128xf32, #tpu.memory_space<vmem>>, vector<16xf32>,
        %add3A_221 = arith.constant 64 : i32
        %add3A_222 = arith.addi %add3A_187, %add3A_221 : i32
        %get3A_223 = arith.index_cast %add3A_222 : i32 to index
        %get3A_224 = arith.constant 0 : index
        %get3A_225 = tpu.vector_load %arg26[%get3A_223, %get3A_224] {strides = array<i32>} : memref<128x64xbf16, #tpu.memory_space<vmem>>, vector<32xbf16>,
        %bitcast3A_226 = vector.bitcast %get3A_225 : vector<32xbf16> to vector<16xi32>
        %shift_left3A_227 = arith.constant 16 : i32
        %shift_left3A_228 = vector.broadcast %shift_left3A_227 : i32 to vector<16xi32>
        %shift_left3A_229 = arith.shli %bitcast3A_226, %shift_left3A_228 : vector<16xi32>
        %bitcast3A_230 = vector.bitcast %shift_left3A_229 : vector<16xi32> to vector<16xf32>
        %and3A_231 = arith.constant -65536 : i32
        %and3A_232 = vector.broadcast %and3A_231 : i32 to vector<16xi32>
        %and3A_233 = arith.andi %bitcast3A_226, %and3A_232 : vector<16xi32>
        %bitcast3A_234 = vector.bitcast %and3A_233 : vector<16xi32> to vector<16xf32>
        %swap3A_235 = arith.index_cast %add3A_187 : i32 to index
        %swap3A_236 = arith.constant 64 : index
        %swap3A_237 = tpu.vector_load %arg30[%swap3A_235, %swap3A_236] {strides = array<i32>} : memref<64x128xf32, #tpu.memory_space<vmem>>, vector<16xf32>,
        tpu.vector_store %arg30[%swap3A_235, %swap3A_236], %bitcast3A_230 {strides = array<i32>} : memref<64x128xf32, #tpu.memory_space<vmem>>, vector<16xf32>,
        %swap3A_238 = arith.index_cast %add3A_187 : i32 to index
        %swap3A_239 = arith.constant 80 : index
        %swap3A_240 = tpu.vector_load %arg30[%swap3A_238, %swap3A_239] {strides = array<i32>} : memref<64x128xf32, #tpu.memory_space<vmem>>, vector<16xf32>,
        tpu.vector_store %arg30[%swap3A_238, %swap3A_239], %bitcast3A_234 {strides = array<i32>} : memref<64x128xf32, #tpu.memory_space<vmem>>, vector<16xf32>,
        %get3A_241 = arith.index_cast %add3A_222 : i32 to index
        %get3A_242 = arith.constant 32 : index
        %get3A_243 = tpu.vector_load %arg26[%get3A_241, %get3A_242] {strides = array<i32>} : memref<128x64xbf16, #tpu.memory_space<vmem>>, vector<32xbf16>,
        %bitcast3A_244 = vector.bitcast %get3A_243 : vector<32xbf16> to vector<16xi32>
        %shift_left3A_245 = arith.constant 16 : i32
        %shift_left3A_246 = vector.broadcast %shift_left3A_245 : i32 to vector<16xi32>
        %shift_left3A_247 = arith.shli %bitcast3A_244, %shift_left3A_246 : vector<16xi32>
        %bitcast3A_248 = vector.bitcast %shift_left3A_247 : vector<16xi32> to vector<16xf32>
        %and3A_249 = arith.constant -65536 : i32
        %and3A_250 = vector.broadcast %and3A_249 : i32 to vector<16xi32>
        %and3A_251 = arith.andi %bitcast3A_244, %and3A_250 : vector<16xi32>
        %bitcast3A_252 = vector.bitcast %and3A_251 : vector<16xi32> to vector<16xf32>
        %swap3A_253 = arith.index_cast %add3A_187 : i32 to index
        %swap3A_254 = arith.constant 96 : index
        %swap3A_255 = tpu.vector_load %arg30[%swap3A_253, %swap3A_254] {strides = array<i32>} : memref<64x128xf32, #tpu.memory_space<vmem>>, vector<16xf32>,
        tpu.vector_store %arg30[%swap3A_253, %swap3A_254], %bitcast3A_248 {strides = array<i32>} : memref<64x128xf32, #tpu.memory_space<vmem>>, vector<16xf32>,
        %swap3A_256 = arith.index_cast %add3A_187 : i32 to index
        %swap3A_257 = arith.constant 112 : index
        %swap3A_258 = tpu.vector_load %arg30[%swap3A_256, %swap3A_257] {strides = array<i32>} : memref<64x128xf32, #tpu.memory_space<vmem>>, vector<16xf32>,
        tpu.vector_store %arg30[%swap3A_256, %swap3A_257], %bitcast3A_252 {strides = array<i32>} : memref<64x128xf32, #tpu.memory_space<vmem>>, vector<16xf32>,
        %mul3A_259 = arith.constant 2 : i32
        %mul3A_260 = arith.muli %scan3A_183, %mul3A_259 : i32
        %add3A_261 = arith.constant 1 : i32
        %add3A_262 = arith.addi %mul3A_260, %add3A_261 : i32
        %add3A_263 = arith.constant 0 : i32
        %add3A_264 = arith.addi %add3A_262, %add3A_263 : i32
        %get3A_265 = arith.index_cast %add3A_264 : i32 to index
        %get3A_266 = arith.constant 0 : index
        %get3A_267 = tpu.vector_load %arg26[%get3A_265, %get3A_266] {strides = array<i32>} : memref<128x64xbf16, #tpu.memory_space<vmem>>, vector<32xbf16>,
        %bitcast3A_268 = vector.bitcast %get3A_267 : vector<32xbf16> to vector<16xi32>
        %shift_left3A_269 = arith.constant 16 : i32
        %shift_left3A_270 = vector.broadcast %shift_left3A_269 : i32 to vector<16xi32>
        %shift_left3A_271 = arith.shli %bitcast3A_268, %shift_left3A_270 : vector<16xi32>
        %bitcast3A_272 = vector.bitcast %shift_left3A_271 : vector<16xi32> to vector<16xf32>
        %and3A_273 = arith.constant -65536 : i32
        %and3A_274 = vector.broadcast %and3A_273 : i32 to vector<16xi32>
        %and3A_275 = arith.andi %bitcast3A_268, %and3A_274 : vector<16xi32>
        %bitcast3A_276 = vector.bitcast %and3A_275 : vector<16xi32> to vector<16xf32>
        %swap3A_277 = arith.index_cast %add3A_262 : i32 to index
        %swap3A_278 = arith.constant 0 : index
        %swap3A_279 = tpu.vector_load %arg30[%swap3A_277, %swap3A_278] {strides = array<i32>} : memref<64x128xf32, #tpu.memory_space<vmem>>, vector<16xf32>,
        tpu.vector_store %arg30[%swap3A_277, %swap3A_278], %bitcast3A_272 {strides = array<i32>} : memref<64x128xf32, #tpu.memory_space<vmem>>, vector<16xf32>,
        %swap3A_280 = arith.index_cast %add3A_262 : i32 to index
        %swap3A_281 = arith.constant 16 : index
        %swap3A_282 = tpu.vector_load %arg30[%swap3A_280, %swap3A_281] {strides = array<i32>} : memref<64x128xf32, #tpu.memory_space<vmem>>, vector<16xf32>,
        tpu.vector_store %arg30[%swap3A_280, %swap3A_281], %bitcast3A_276 {strides = array<i32>} : memref<64x128xf32, #tpu.memory_space<vmem>>, vector<16xf32>,
        %get3A_283 = arith.index_cast %add3A_264 : i32 to index
        %get3A_284 = arith.constant 32 : index
        %get3A_285 = tpu.vector_load %arg26[%get3A_283, %get3A_284] {strides = array<i32>} : memref<128x64xbf16, #tpu.memory_space<vmem>>, vector<32xbf16>,
        %bitcast3A_286 = vector.bitcast %get3A_285 : vector<32xbf16> to vector<16xi32>
        %shift_left3A_287 = arith.constant 16 : i32
        %shift_left3A_288 = vector.broadcast %shift_left3A_287 : i32 to vector<16xi32>
        %shift_left3A_289 = arith.shli %bitcast3A_286, %shift_left3A_288 : vector<16xi32>
        %bitcast3A_290 = vector.bitcast %shift_left3A_289 : vector<16xi32> to vector<16xf32>
        %and3A_291 = arith.constant -65536 : i32
        %and3A_292 = vector.broadcast %and3A_291 : i32 to vector<16xi32>
        %and3A_293 = arith.andi %bitcast3A_286, %and3A_292 : vector<16xi32>
        %bitcast3A_294 = vector.bitcast %and3A_293 : vector<16xi32> to vector<16xf32>
        %swap3A_295 = arith.index_cast %add3A_262 : i32 to index
        %swap3A_296 = arith.constant 32 : index
        %swap3A_297 = tpu.vector_load %arg30[%swap3A_295, %swap3A_296] {strides = array<i32>} : memref<64x128xf32, #tpu.memory_space<vmem>>, vector<16xf32>,
        tpu.vector_store %arg30[%swap3A_295, %swap3A_296], %bitcast3A_290 {strides = array<i32>} : memref<64x128xf32, #tpu.memory_space<vmem>>, vector<16xf32>,
        %swap3A_298 = arith.index_cast %add3A_262 : i32 to index
        %swap3A_299 = arith.constant 48 : index
        %swap3A_300 = tpu.vector_load %arg30[%swap3A_298, %swap3A_299] {strides = array<i32>} : memref<64x128xf32, #tpu.memory_space<vmem>>, vector<16xf32>,
        tpu.vector_store %arg30[%swap3A_298, %swap3A_299], %bitcast3A_294 {strides = array<i32>} : memref<64x128xf32, #tpu.memory_space<vmem>>, vector<16xf32>,
        %add3A_301 = arith.constant 64 : i32
        %add3A_302 = arith.addi %add3A_262, %add3A_301 : i32
        %get3A_303 = arith.index_cast %add3A_302 : i32 to index
        %get3A_304 = arith.constant 0 : index
        %get3A_305 = tpu.vector_load %arg26[%get3A_303, %get3A_304] {strides = array<i32>} : memref<128x64xbf16, #tpu.memory_space<vmem>>, vector<32xbf16>,
        %bitcast3A_306 = vector.bitcast %get3A_305 : vector<32xbf16> to vector<16xi32>
        %shift_left3A_307 = arith.constant 16 : i32
        %shift_left3A_308 = vector.broadcast %shift_left3A_307 : i32 to vector<16xi32>
        %shift_left3A_309 = arith.shli %bitcast3A_306, %shift_left3A_308 : vector<16xi32>
        %bitcast3A_310 = vector.bitcast %shift_left3A_309 : vector<16xi32> to vector<16xf32>
        %and3A_311 = arith.constant -65536 : i32
        %and3A_312 = vector.broadcast %and3A_311 : i32 to vector<16xi32>
        %and3A_313 = arith.andi %bitcast3A_306, %and3A_312 : vector<16xi32>
        %bitcast3A_314 = vector.bitcast %and3A_313 : vector<16xi32> to vector<16xf32>
        %swap3A_315 = arith.index_cast %add3A_262 : i32 to index
        %swap3A_316 = arith.constant 64 : index
        %swap3A_317 = tpu.vector_load %arg30[%swap3A_315, %swap3A_316] {strides = array<i32>} : memref<64x128xf32, #tpu.memory_space<vmem>>, vector<16xf32>,
        tpu.vector_store %arg30[%swap3A_315, %swap3A_316], %bitcast3A_310 {strides = array<i32>} : memref<64x128xf32, #tpu.memory_space<vmem>>, vector<16xf32>,
        %swap3A_318 = arith.index_cast %add3A_262 : i32 to index
        %swap3A_319 = arith.constant 80 : index
        %swap3A_320 = tpu.vector_load %arg30[%swap3A_318, %swap3A_319] {strides = array<i32>} : memref<64x128xf32, #tpu.memory_space<vmem>>, vector<16xf32>,
        tpu.vector_store %arg30[%swap3A_318, %swap3A_319], %bitcast3A_314 {strides = array<i32>} : memref<64x128xf32, #tpu.memory_space<vmem>>, vector<16xf32>,
        %get3A_321 = arith.index_cast %add3A_302 : i32 to index
        %get3A_322 = arith.constant 32 : index
        %get3A_323 = tpu.vector_load %arg26[%get3A_321, %get3A_322] {strides = array<i32>} : memref<128x64xbf16, #tpu.memory_space<vmem>>, vector<32xbf16>,
        %bitcast3A_324 = vector.bitcast %get3A_323 : vector<32xbf16> to vector<16xi32>
        %shift_left3A_325 = arith.constant 16 : i32
        %shift_left3A_326 = vector.broadcast %shift_left3A_325 : i32 to vector<16xi32>
        %shift_left3A_327 = arith.shli %bitcast3A_324, %shift_left3A_326 : vector<16xi32>
        %bitcast3A_328 = vector.bitcast %shift_left3A_327 : vector<16xi32> to vector<16xf32>
        %and3A_329 = arith.constant -65536 : i32
        %and3A_330 = vector.broadcast %and3A_329 : i32 to vector<16xi32>
        %and3A_331 = arith.andi %bitcast3A_324, %and3A_330 : vector<16xi32>
        %bitcast3A_332 = vector.bitcast %and3A_331 : vector<16xi32> to vector<16xf32>
        %swap3A_333 = arith.index_cast %add3A_262 : i32 to index
        %swap3A_334 = arith.constant 96 : index
        %swap3A_335 = tpu.vector_load %arg30[%swap3A_333, %swap3A_334] {strides = array<i32>} : memref<64x128xf32, #tpu.memory_space<vmem>>, vector<16xf32>,
        tpu.vector_store %arg30[%swap3A_333, %swap3A_334], %bitcast3A_328 {strides = array<i32>} : memref<64x128xf32, #tpu.memory_space<vmem>>, vector<16xf32>,
        %swap3A_336 = arith.index_cast %add3A_262 : i32 to index
        %swap3A_337 = arith.constant 112 : index
        %swap3A_338 = tpu.vector_load %arg30[%swap3A_336, %swap3A_337] {strides = array<i32>} : memref<64x128xf32, #tpu.memory_space<vmem>>, vector<16xf32>,
        tpu.vector_store %arg30[%swap3A_336, %swap3A_337], %bitcast3A_332 {strides = array<i32>} : memref<64x128xf32, #tpu.memory_space<vmem>>, vector<16xf32>,
      }
      %scan3A_175 = arith.constant 32 : i32
      %mul3A_176 = arith.constant 64 : i32
      %mul3A_177 = arith.muli %add3A_65, %mul3A_176 : i32
      %add3A_178 = arith.addi %mul3A_7, %mul3A_177 : i32
      %dma_start3A_179 = arith.constant 0 : i32
      %dma_start3A_180 = tpu.memref_slice %arg11[%add3A_178, %dma_start3A_179] : memref<102400x128xf32, #tpu.memory_space<hbm>> -> memref<64x128xf32, #tpu.memory_space<hbm>>
      %dma_start3A_181 = arith.constant 0 : i32
      %dma_start3A_182 = tpu.memref_slice %arg11[%add3A_178, %dma_start3A_181] : memref<102400x128xf32, #tpu.memory_space<hbm>> -> memref<64x128xf32, #tpu.memory_space<hbm>>
      tpu.enqueue_dma source(%arg30 : memref<64x128xf32, #tpu.memory_space<vmem>>) target(%dma_start3A_182 : memref<64x128xf32, #tpu.memory_space<hbm>>) target_semaphore(%arg39 : memref<!tpu.dma_semaphore, #tpu.memory_space<semaphore_mem>>)
    }
    %scan3A_45 = arith.constant 25 : i32
    %dma_wait3A = arith.constant 0 : i32
    %dma_wait3A_46 = tpu.memref_slice %arg11[%mul3A_7, %dma_wait3A] : memref<102400x128xf32, #tpu.memory_space<hbm>> -> memref<64x128xf32, #tpu.memory_space<hbm>>
    %dma_wait3A_47 = arith.constant 0 : i32
    %dma_wait3A_48 = tpu.memref_slice %arg11[%mul3A_7, %dma_wait3A_47] : memref<102400x128xf32, #tpu.memory_space<hbm>> -> memref<64x128xf32, #tpu.memory_space<hbm>>
    tpu.wait_dma2 semaphore(%arg38 : memref<!tpu.dma_semaphore, #tpu.memory_space<semaphore_mem>>) src(%arg25 : memref<64x128xf32, #tpu.memory_space<vmem>>) dst(%dma_wait3A_48 : memref<64x128xf32, #tpu.memory_space<hbm>>)
    %dma_wait3A_49 = arith.constant 0 : i32
    %dma_wait3A_50 = tpu.memref_slice %arg11[%mul3A_7, %dma_wait3A_49] : memref<102400x128xf32, #tpu.memory_space<hbm>> -> memref<64x128xf32, #tpu.memory_space<hbm>>
    %dma_wait3A_51 = arith.constant 0 : i32
    %dma_wait3A_52 = tpu.memref_slice %arg11[%mul3A_7, %dma_wait3A_51] : memref<102400x128xf32, #tpu.memory_space<hbm>> -> memref<64x128xf32, #tpu.memory_space<hbm>>
    tpu.wait_dma2 semaphore(%arg39 : memref<!tpu.dma_semaphore, #tpu.memory_space<semaphore_mem>>) src(%arg30 : memref<64x128xf32, #tpu.memory_space<vmem>>) dst(%dma_wait3A_52 : memref<64x128xf32, #tpu.memory_space<hbm>>)
    %iota3A = tpu.iota {dimensions = array<i32: 0>} : vector<16xi32>
    %scan3A_53 = arith.constant 0 : i32
    %scan3A_54 = arith.constant 0 : i32
    %scan3A_55 = arith.constant 2 : i32
    %scan3A_56 = arith.addi %scan3A_54, %scan3A_55 : i32
    %scan3A_57 = arith.constant 1 : i32
    scf.for %scan3A_59 = %scan3A_54 to %scan3A_56 step %scan3A_57  : i32 {
      %mul3A_60 = arith.constant 4 : i32
      %mul3A_61 = arith.muli %scan3A_59, %mul3A_60 : i32
      %mul3A_62 = arith.constant 102400 : i32
      %mul3A_63 = arith.muli %mul3A_61, %mul3A_62 : i32
      %mul3A_64 = arith.constant 4 : i32
      %mul3A_65 = arith.muli %add3A, %mul3A_64 : i32
      %mul3A_66 = arith.constant 3200 : i32
      %mul3A_67 = arith.muli %mul3A_65, %mul3A_66 : i32
      %add3A_68 = arith.addi %mul3A_63, %mul3A_67 : i32
      "tpu.region"() ({
        %run_scoped3A = tpu.sem_alloc : memref<!tpu.dma_semaphore, #tpu.memory_space<semaphore_mem>>
        %dma_start3A_99 = tpu.memref_slice %arg6[%add3A_68] : memref<819200xf32, #tpu.memory_space<hbm>> -> memref<12800xf32, #tpu.memory_space<hbm>>
        %dma_start3A_100 = tpu.memref_slice %arg6[%add3A_68] : memref<819200xf32, #tpu.memory_space<hbm>> -> memref<12800xf32, #tpu.memory_space<hbm>>
        tpu.enqueue_dma source(%dma_start3A_100 : memref<12800xf32, #tpu.memory_space<hbm>>) target(%arg31 : memref<12800xf32, #tpu.memory_space<vmem>>) target_semaphore(%run_scoped3A : memref<!tpu.dma_semaphore, #tpu.memory_space<semaphore_mem>>)
        %dma_wait3A_101 = tpu.memref_slice %arg6[%add3A_68] : memref<819200xf32, #tpu.memory_space<hbm>> -> memref<12800xf32, #tpu.memory_space<hbm>>
        %dma_wait3A_102 = tpu.memref_slice %arg6[%add3A_68] : memref<819200xf32, #tpu.memory_space<hbm>> -> memref<12800xf32, #tpu.memory_space<hbm>>
        tpu.wait_dma2 semaphore(%run_scoped3A : memref<!tpu.dma_semaphore, #tpu.memory_space<semaphore_mem>>) src(%dma_wait3A_102 : memref<12800xf32, #tpu.memory_space<hbm>>) dst(%arg31 : memref<12800xf32, #tpu.memory_space<vmem>>)
        tpu.yield
      }) : () -> ()
      %scan3A_69 = arith.constant 0 : i32
      %scan3A_70 = arith.constant 0 : i32
      %scan3A_71 = arith.constant 200 : i32
      %scan3A_72 = arith.addi %scan3A_70, %scan3A_71 : i32
      %scan3A_73 = arith.constant 1 : i32
      scf.for %scan3A_99 = %scan3A_70 to %scan3A_72 step %scan3A_73  : i32 {
        %mul3A_100 = arith.constant 64 : i32
        %mul3A_101 = arith.muli %scan3A_99, %mul3A_100 : i32
        %mul3A_102 = arith.constant 4 : i32
        %mul3A_103 = vector.broadcast %mul3A_102 : i32 to vector<16xi32>
        %mul3A_104 = arith.muli %iota3A, %mul3A_103 : vector<16xi32>
        %add3A_105 = arith.constant 0 : i32
        %add3A_106 = vector.broadcast %add3A_105 : i32 to vector<16xi32>
        %add3A_107 = arith.addi %mul3A_104, %add3A_106 : vector<16xi32>
        %gather3A = tpu.memref_slice %arg31[%mul3A_101] : memref<12800xf32, #tpu.memory_space<vmem>> -> memref<64xf32, #tpu.memory_space<vmem>>
        %gather3A_108 = tpu.vector_load_idx %gather3A[%add3A_107] : memref<64xf32, #tpu.memory_space<vmem>>[vector<16xi32>], vector<16xf32>,
        %mul3A_109 = arith.constant 16 : i32
        %mul3A_110 = arith.muli %scan3A_99, %mul3A_109 : i32
        %swap3A = arith.index_cast %mul3A_110 : i32 to index
        %swap3A_111 = tpu.vector_load %arg32[%swap3A] {strides = array<i32>} : memref<3200xf32, #tpu.memory_space<vmem>>, vector<16xf32>,
        tpu.vector_store %arg32[%swap3A], %gather3A_108 {strides = array<i32>} : memref<3200xf32, #tpu.memory_space<vmem>>, vector<16xf32>,
        %mul3A_112 = arith.constant 4 : i32
        %mul3A_113 = vector.broadcast %mul3A_112 : i32 to vector<16xi32>
        %mul3A_114 = arith.muli %iota3A, %mul3A_113 : vector<16xi32>
        %add3A_115 = arith.constant 1 : i32
        %add3A_116 = vector.broadcast %add3A_115 : i32 to vector<16xi32>
        %add3A_117 = arith.addi %mul3A_114, %add3A_116 : vector<16xi32>
        %gather3A_118 = tpu.memref_slice %arg31[%mul3A_101] : memref<12800xf32, #tpu.memory_space<vmem>> -> memref<64xf32, #tpu.memory_space<vmem>>
        %gather3A_119 = tpu.vector_load_idx %gather3A_118[%add3A_117] : memref<64xf32, #tpu.memory_space<vmem>>[vector<16xi32>], vector<16xf32>,
        %mul3A_120 = arith.constant 16 : i32
        %mul3A_121 = arith.muli %scan3A_99, %mul3A_120 : i32
        %swap3A_122 = arith.index_cast %mul3A_121 : i32 to index
        %swap3A_123 = tpu.vector_load %arg33[%swap3A_122] {strides = array<i32>} : memref<3200xf32, #tpu.memory_space<vmem>>, vector<16xf32>,
        tpu.vector_store %arg33[%swap3A_122], %gather3A_119 {strides = array<i32>} : memref<3200xf32, #tpu.memory_space<vmem>>, vector<16xf32>,
        %mul3A_124 = arith.constant 4 : i32
        %mul3A_125 = vector.broadcast %mul3A_124 : i32 to vector<16xi32>
        %mul3A_126 = arith.muli %iota3A, %mul3A_125 : vector<16xi32>
        %add3A_127 = arith.constant 2 : i32
        %add3A_128 = vector.broadcast %add3A_127 : i32 to vector<16xi32>
        %add3A_129 = arith.addi %mul3A_126, %add3A_128 : vector<16xi32>
        %gather3A_130 = tpu.memref_slice %arg31[%mul3A_101] : memref<12800xf32, #tpu.memory_space<vmem>> -> memref<64xf32, #tpu.memory_space<vmem>>
        %gather3A_131 = tpu.vector_load_idx %gather3A_130[%add3A_129] : memref<64xf32, #tpu.memory_space<vmem>>[vector<16xi32>], vector<16xf32>,
        %mul3A_132 = arith.constant 16 : i32
        %mul3A_133 = arith.muli %scan3A_99, %mul3A_132 : i32
        %swap3A_134 = arith.index_cast %mul3A_133 : i32 to index
        %swap3A_135 = tpu.vector_load %arg34[%swap3A_134] {strides = array<i32>} : memref<3200xf32, #tpu.memory_space<vmem>>, vector<16xf32>,
        tpu.vector_store %arg34[%swap3A_134], %gather3A_131 {strides = array<i32>} : memref<3200xf32, #tpu.memory_space<vmem>>, vector<16xf32>,
        %mul3A_136 = arith.constant 4 : i32
        %mul3A_137 = vector.broadcast %mul3A_136 : i32 to vector<16xi32>
        %mul3A_138 = arith.muli %iota3A, %mul3A_137 : vector<16xi32>
        %add3A_139 = arith.constant 3 : i32
        %add3A_140 = vector.broadcast %add3A_139 : i32 to vector<16xi32>
        %add3A_141 = arith.addi %mul3A_138, %add3A_140 : vector<16xi32>
        %gather3A_142 = tpu.memref_slice %arg31[%mul3A_101] : memref<12800xf32, #tpu.memory_space<vmem>> -> memref<64xf32, #tpu.memory_space<vmem>>
        %gather3A_143 = tpu.vector_load_idx %gather3A_142[%add3A_141] : memref<64xf32, #tpu.memory_space<vmem>>[vector<16xi32>], vector<16xf32>,
        %mul3A_144 = arith.constant 16 : i32
        %mul3A_145 = arith.muli %scan3A_99, %mul3A_144 : i32
        %swap3A_146 = arith.index_cast %mul3A_145 : i32 to index
        %swap3A_147 = tpu.vector_load %arg35[%swap3A_146] {strides = array<i32>} : memref<3200xf32, #tpu.memory_space<vmem>>, vector<16xf32>,
        tpu.vector_store %arg35[%swap3A_146], %gather3A_143 {strides = array<i32>} : memref<3200xf32, #tpu.memory_space<vmem>>, vector<16xf32>,
      }
      %scan3A_74 = arith.constant 200 : i32
      %mul3A_75 = arith.constant 4 : i32
      %mul3A_76 = arith.muli %mul3A_75, %scan3A_59 : i32
      %add3A_77 = arith.constant 0 : i32
      %add3A_78 = arith.addi %mul3A_76, %add3A_77 : i32
      %mul3A_79 = arith.constant 3200 : i32
      %mul3A_80 = arith.muli %add3A, %mul3A_79 : i32
      "tpu.region"() ({
        %run_scoped3A = tpu.sem_alloc : memref<!tpu.dma_semaphore, #tpu.memory_space<semaphore_mem>>
        %dma_start3A_99 = tpu.memref_slice %arg12[%add3A_78, %mul3A_80] : memref<8x102400xf32, #tpu.memory_space<hbm>> -> memref<1x3200xf32, #tpu.memory_space<hbm>>
        %dma_start3A_100 = tpu.memref_squeeze %dma_start3A_99 : memref<1x3200xf32, #tpu.memory_space<hbm>> -> memref<3200xf32, #tpu.memory_space<hbm>>
        %dma_start3A_101 = tpu.memref_slice %arg12[%add3A_78, %mul3A_80] : memref<8x102400xf32, #tpu.memory_space<hbm>> -> memref<1x3200xf32, #tpu.memory_space<hbm>>
        %dma_start3A_102 = tpu.memref_squeeze %dma_start3A_101 : memref<1x3200xf32, #tpu.memory_space<hbm>> -> memref<3200xf32, #tpu.memory_space<hbm>>
        tpu.enqueue_dma source(%arg32 : memref<3200xf32, #tpu.memory_space<vmem>>) target(%dma_start3A_102 : memref<3200xf32, #tpu.memory_space<hbm>>) target_semaphore(%run_scoped3A : memref<!tpu.dma_semaphore, #tpu.memory_space<semaphore_mem>>)
        %dma_wait3A_103 = tpu.memref_slice %arg12[%add3A_78, %mul3A_80] : memref<8x102400xf32, #tpu.memory_space<hbm>> -> memref<1x3200xf32, #tpu.memory_space<hbm>>
        %dma_wait3A_104 = tpu.memref_squeeze %dma_wait3A_103 : memref<1x3200xf32, #tpu.memory_space<hbm>> -> memref<3200xf32, #tpu.memory_space<hbm>>
        %dma_wait3A_105 = tpu.memref_slice %arg12[%add3A_78, %mul3A_80] : memref<8x102400xf32, #tpu.memory_space<hbm>> -> memref<1x3200xf32, #tpu.memory_space<hbm>>
        %dma_wait3A_106 = tpu.memref_squeeze %dma_wait3A_105 : memref<1x3200xf32, #tpu.memory_space<hbm>> -> memref<3200xf32, #tpu.memory_space<hbm>>
        tpu.wait_dma2 semaphore(%run_scoped3A : memref<!tpu.dma_semaphore, #tpu.memory_space<semaphore_mem>>) src(%arg32 : memref<3200xf32, #tpu.memory_space<vmem>>) dst(%dma_wait3A_106 : memref<3200xf32, #tpu.memory_space<hbm>>)
        tpu.yield
      }) : () -> ()
      %mul3A_81 = arith.constant 4 : i32
      %mul3A_82 = arith.muli %mul3A_81, %scan3A_59 : i32
      %add3A_83 = arith.constant 1 : i32
      %add3A_84 = arith.addi %mul3A_82, %add3A_83 : i32
      %mul3A_85 = arith.constant 3200 : i32
      %mul3A_86 = arith.muli %add3A, %mul3A_85 : i32
      "tpu.region"() ({
        %run_scoped3A = tpu.sem_alloc : memref<!tpu.dma_semaphore, #tpu.memory_space<semaphore_mem>>
        %dma_start3A_99 = tpu.memref_slice %arg12[%add3A_84, %mul3A_86] : memref<8x102400xf32, #tpu.memory_space<hbm>> -> memref<1x3200xf32, #tpu.memory_space<hbm>>
        %dma_start3A_100 = tpu.memref_squeeze %dma_start3A_99 : memref<1x3200xf32, #tpu.memory_space<hbm>> -> memref<3200xf32, #tpu.memory_space<hbm>>
        %dma_start3A_101 = tpu.memref_slice %arg12[%add3A_84, %mul3A_86] : memref<8x102400xf32, #tpu.memory_space<hbm>> -> memref<1x3200xf32, #tpu.memory_space<hbm>>
        %dma_start3A_102 = tpu.memref_squeeze %dma_start3A_101 : memref<1x3200xf32, #tpu.memory_space<hbm>> -> memref<3200xf32, #tpu.memory_space<hbm>>
        tpu.enqueue_dma source(%arg33 : memref<3200xf32, #tpu.memory_space<vmem>>) target(%dma_start3A_102 : memref<3200xf32, #tpu.memory_space<hbm>>) target_semaphore(%run_scoped3A : memref<!tpu.dma_semaphore, #tpu.memory_space<semaphore_mem>>)
        %dma_wait3A_103 = tpu.memref_slice %arg12[%add3A_84, %mul3A_86] : memref<8x102400xf32, #tpu.memory_space<hbm>> -> memref<1x3200xf32, #tpu.memory_space<hbm>>
        %dma_wait3A_104 = tpu.memref_squeeze %dma_wait3A_103 : memref<1x3200xf32, #tpu.memory_space<hbm>> -> memref<3200xf32, #tpu.memory_space<hbm>>
        %dma_wait3A_105 = tpu.memref_slice %arg12[%add3A_84, %mul3A_86] : memref<8x102400xf32, #tpu.memory_space<hbm>> -> memref<1x3200xf32, #tpu.memory_space<hbm>>
        %dma_wait3A_106 = tpu.memref_squeeze %dma_wait3A_105 : memref<1x3200xf32, #tpu.memory_space<hbm>> -> memref<3200xf32, #tpu.memory_space<hbm>>
        tpu.wait_dma2 semaphore(%run_scoped3A : memref<!tpu.dma_semaphore, #tpu.memory_space<semaphore_mem>>) src(%arg33 : memref<3200xf32, #tpu.memory_space<vmem>>) dst(%dma_wait3A_106 : memref<3200xf32, #tpu.memory_space<hbm>>)
        tpu.yield
      }) : () -> ()
      %mul3A_87 = arith.constant 4 : i32
      %mul3A_88 = arith.muli %mul3A_87, %scan3A_59 : i32
      %add3A_89 = arith.constant 2 : i32
      %add3A_90 = arith.addi %mul3A_88, %add3A_89 : i32
      %mul3A_91 = arith.constant 3200 : i32
      %mul3A_92 = arith.muli %add3A, %mul3A_91 : i32
      "tpu.region"() ({
        %run_scoped3A = tpu.sem_alloc : memref<!tpu.dma_semaphore, #tpu.memory_space<semaphore_mem>>
        %dma_start3A_99 = tpu.memref_slice %arg12[%add3A_90, %mul3A_92] : memref<8x102400xf32, #tpu.memory_space<hbm>> -> memref<1x3200xf32, #tpu.memory_space<hbm>>
        %dma_start3A_100 = tpu.memref_squeeze %dma_start3A_99 : memref<1x3200xf32, #tpu.memory_space<hbm>> -> memref<3200xf32, #tpu.memory_space<hbm>>
        %dma_start3A_101 = tpu.memref_slice %arg12[%add3A_90, %mul3A_92] : memref<8x102400xf32, #tpu.memory_space<hbm>> -> memref<1x3200xf32, #tpu.memory_space<hbm>>
        %dma_start3A_102 = tpu.memref_squeeze %dma_start3A_101 : memref<1x3200xf32, #tpu.memory_space<hbm>> -> memref<3200xf32, #tpu.memory_space<hbm>>
        tpu.enqueue_dma source(%arg34 : memref<3200xf32, #tpu.memory_space<vmem>>) target(%dma_start3A_102 : memref<3200xf32, #tpu.memory_space<hbm>>) target_semaphore(%run_scoped3A : memref<!tpu.dma_semaphore, #tpu.memory_space<semaphore_mem>>)
        %dma_wait3A_103 = tpu.memref_slice %arg12[%add3A_90, %mul3A_92] : memref<8x102400xf32, #tpu.memory_space<hbm>> -> memref<1x3200xf32, #tpu.memory_space<hbm>>
        %dma_wait3A_104 = tpu.memref_squeeze %dma_wait3A_103 : memref<1x3200xf32, #tpu.memory_space<hbm>> -> memref<3200xf32, #tpu.memory_space<hbm>>
        %dma_wait3A_105 = tpu.memref_slice %arg12[%add3A_90, %mul3A_92] : memref<8x102400xf32, #tpu.memory_space<hbm>> -> memref<1x3200xf32, #tpu.memory_space<hbm>>
        %dma_wait3A_106 = tpu.memref_squeeze %dma_wait3A_105 : memref<1x3200xf32, #tpu.memory_space<hbm>> -> memref<3200xf32, #tpu.memory_space<hbm>>
        tpu.wait_dma2 semaphore(%run_scoped3A : memref<!tpu.dma_semaphore, #tpu.memory_space<semaphore_mem>>) src(%arg34 : memref<3200xf32, #tpu.memory_space<vmem>>) dst(%dma_wait3A_106 : memref<3200xf32, #tpu.memory_space<hbm>>)
        tpu.yield
      }) : () -> ()
      %mul3A_93 = arith.constant 4 : i32
      %mul3A_94 = arith.muli %mul3A_93, %scan3A_59 : i32
      %add3A_95 = arith.constant 3 : i32
      %add3A_96 = arith.addi %mul3A_94, %add3A_95 : i32
      %mul3A_97 = arith.constant 3200 : i32
      %mul3A_98 = arith.muli %add3A, %mul3A_97 : i32
      "tpu.region"() ({
        %run_scoped3A = tpu.sem_alloc : memref<!tpu.dma_semaphore, #tpu.memory_space<semaphore_mem>>
        %dma_start3A_99 = tpu.memref_slice %arg12[%add3A_96, %mul3A_98] : memref<8x102400xf32, #tpu.memory_space<hbm>> -> memref<1x3200xf32, #tpu.memory_space<hbm>>
        %dma_start3A_100 = tpu.memref_squeeze %dma_start3A_99 : memref<1x3200xf32, #tpu.memory_space<hbm>> -> memref<3200xf32, #tpu.memory_space<hbm>>
        %dma_start3A_101 = tpu.memref_slice %arg12[%add3A_96, %mul3A_98] : memref<8x102400xf32, #tpu.memory_space<hbm>> -> memref<1x3200xf32, #tpu.memory_space<hbm>>
        %dma_start3A_102 = tpu.memref_squeeze %dma_start3A_101 : memref<1x3200xf32, #tpu.memory_space<hbm>> -> memref<3200xf32, #tpu.memory_space<hbm>>
        tpu.enqueue_dma source(%arg35 : memref<3200xf32, #tpu.memory_space<vmem>>) target(%dma_start3A_102 : memref<3200xf32, #tpu.memory_space<hbm>>) target_semaphore(%run_scoped3A : memref<!tpu.dma_semaphore, #tpu.memory_space<semaphore_mem>>)
        %dma_wait3A_103 = tpu.memref_slice %arg12[%add3A_96, %mul3A_98] : memref<8x102400xf32, #tpu.memory_space<hbm>> -> memref<1x3200xf32, #tpu.memory_space<hbm>>
        %dma_wait3A_104 = tpu.memref_squeeze %dma_wait3A_103 : memref<1x3200xf32, #tpu.memory_space<hbm>> -> memref<3200xf32, #tpu.memory_space<hbm>>
        %dma_wait3A_105 = tpu.memref_slice %arg12[%add3A_96, %mul3A_98] : memref<8x102400xf32, #tpu.memory_space<hbm>> -> memref<1x3200xf32, #tpu.memory_space<hbm>>
        %dma_wait3A_106 = tpu.memref_squeeze %dma_wait3A_105 : memref<1x3200xf32, #tpu.memory_space<hbm>> -> memref<3200xf32, #tpu.memory_space<hbm>>
        tpu.wait_dma2 semaphore(%run_scoped3A : memref<!tpu.dma_semaphore, #tpu.memory_space<semaphore_mem>>) src(%arg35 : memref<3200xf32, #tpu.memory_space<vmem>>) dst(%dma_wait3A_106 : memref<3200xf32, #tpu.memory_space<hbm>>)
        tpu.yield
      }) : () -> ()
    }
    %scan3A_58 = arith.constant 2 : i32
    return
  }
}

</mosaic_0001>

<sc_bundles>
// kernel: _gather_sum.3.cloned.1.call-start
scs
__scs_entry_jumppad:
0x0: {  	(pc) =	sbr.rel $0x88, $3  }
0x1: {  	(tag) =	ssettag $0x0;
	lr =	simm.s32 $0x1  }
0x2: {  	[smem:$0x3F98] =	sst lr;
	_ =	strace $0xD0000000  }
0x3: {  	_ = 	snop  }
0x4: {  	_ = 	snop  }
0x5: {  	_ = 	snop  }
0x6: {  	_ = 	snop  }
0x7: {  	_ = 	snop  }
__scs_overlays_trampoline_lowered:
0x8: {  	[smem:$0x3FA7] =	sst s0  }
0x9: {  	[smem:$0x3FA8] =	sst s1  }
0xa: {  	[smem:$0x3FA9] =	sst s2  }
0xb: {  	[smem:$0x3FAA] =	sst s3  }
0xc: {  	[smem:$0x3FAB] =	sst s4  }
0xd: {  	[smem:$0x3FAC] =	sst s5  }
0xe: {  	[smem:$0x3FAD] =	sst s6  }
0xf: {  	[smem:$0x3FAE] =	sst s7  }
0x10: {  	[smem:$0x3FAF] =	sst s8  }
0x11: {  	[smem:$0x3FB0] =	sst s9;
	s0 =	simm.s32 @!p0 $0x0  }
0x12: {  	s1 =	sld [smem:$0x3F96];
	s0 =	simm.s32 @p0 $0x1  }
0x13: {  	[smem:$0x3FB1] =	sst s0;
	s0 =	simm.s32 @!p1 $0x0  }
0x14: {  	s2 =	sld [smem:$0x3F95];
	s0 =	simm.s32 @p1 $0x1  }
0x15: {  	[smem:$0x3FB2] =	sst s0;
	s0 =	simm.s32 @!p2 $0x0  }
0x16: {  	s3 =	sld [smem:$0x3FDB];
	s0 =	simm.s32 @p2 $0x1  }
0x17: {  	s4 =	simm.s32 $0x1BF5;
	[smem:$0x3FB4] =	sst s0  }
0x18: {  	s0 =	sld [smem:$0x3F97];
	_ =	swait.ge [sflag:s4], $0x0  }
0x19: {  	s7 =	sld [smem:$0x3F98]  }
0x1a: {  	s8 =	sadd.s32 $0xFFFFE003, lr  }
0x1b: {  	s9 =	sadd.s32 $0xFFFFFEF7, lr;
	s5 =	simm.s32 $0xFFFFFFFF;
	p2 =	slt.u32 s8, $0xFFFFF086  }
0x1c: {  	p1 =	slt.u32 s9, $0xF7A;
	s5 =	simm.s32 @!p2 $0x0  }
0x1d: {  	s5 =	simm.s32 @p1 $0x1;
	p0 =	seq.s32 s7, s2  }
0x1e: {  	s7 =	smul.u32 @!p0 $0xF7A, s2;
	p2 =	seq.s32 @!p0 s5, $0x0  }
0x1f: {  	s9 =	smul.u32 $0xF7A, s1;
	s8 =	simm.s32 @!p0 $0x1BF5;
	p2 =	por !p2, p0  }
0x20: {  	[sflag:s8] =	ssyncset.s32 @!p0 $0xFFFFF086;
	s6 =	sadd.s32 @!p0 s3, s7;
	s7 =	simm.s32 @!p0 $0x108  }
0x21: {  	s3 =	sadd.s32 s3, s9;
	s6 =	sadd.s32 @!p0 $0x88, s6;
	s7 =	simm.s32 @p2 $0x1082  }
0x22: {  	[simem:s7], [sflag:s8] =	dma.local @!p0 [hbm:s6], $0xF7A  }
0x23: {  	s9 =	sor.u32 $0xD0000000, s2;
	s6 =	simm.s32 $0x108;
	_ =	swait.ge @!p0 [sflag:s8], $0x0  }
0x24: {  	s3 =	sadd.s32 $0x88, s3;
	s6 =	simm.s32 @!p1 $0x1082;
	[sflag:s4] =	ssyncset.s32 $0xFFFFF086  }
0x25: {  	[simem:s6], [sflag:s4] =	dma.local [hbm:s3], $0xF7A  }
0x26: {  	[smem:$0x3F98] =	sst s1;
	(tag) =	ssettag s2;
	_ =	strace s9  }
0x27: {  	s1 =	sld [smem:$0x3FA8]  }
0x28: {  	s2 =	sld [smem:$0x3FA9]  }
0x29: {  	s4 =	sld [smem:$0x3FAB]  }
0x2a: {  	p0 =	seq.s32 s5, $0x0;
	s5 =	sld [smem:$0x3FAC]  }
0x2b: {  	s6 =	sld [smem:$0x3FAD]  }
0x2c: {  	s7 =	sld [smem:$0x3FAE]  }
0x2d: {  	s3 =	simm.s32 $0x108;
	s8 =	sld [smem:$0x3FAF]  }
0x2e: {  	s3 =	simm.s32 @!p0 $0x1082;
	s9 =	sld [smem:$0x3FB0]  }
0x2f: {  	lr =	sadd.s32 s0, s3;
	s0 =	sld [smem:$0x3FA7]  }
0x30: {  	s3 =	sld [smem:$0x3FAA]  }
0x31: {  	[smem:$0x3FB3] =	sst s10  }
0x32: {  	s10 =	sld [smem:$0x3FB1];
	_ =	sdelay $0x3  }
0x33: {  	p0 =	seq.s32 s10, $0x1;
	s10 =	sld [smem:$0x3FB3];
	_ =	sdelay $0x3  }
0x34: {  	[smem:$0x3FB3] =	sst s10  }
0x35: {  	s10 =	sld [smem:$0x3FB2];
	_ =	sdelay $0x3  }
0x36: {  	p1 =	seq.s32 s10, $0x1;
	s10 =	sld [smem:$0x3FB3];
	_ =	sdelay $0x3  }
0x37: {  	[smem:$0x3FB3] =	sst s10  }
0x38: {  	s10 =	sld [smem:$0x3FB4]  }
0x39: {  	_ = 	snop;
	(pc) =	sbr.ind lr, $3  }
0x3a: {  	_ = 	snop  }
0x3b: {  	_ = 	snop  }
0x3c: {  	p2 =	seq.s32 s10, $0x1;
	s10 =	sld [smem:$0x3FB3]  }
0x3d: {  	_ =	shalt  }
0x3e: {  	_ =	shalt  }
0x3f: {  	_ =	shalt  }
0x40: {  	_ =	shalt  }
0x41: {  	_ =	shalt  }
0x42: {  	_ =	shalt  }
0x43: {  	_ =	shalt  }
0x44: {  	_ =	shalt  }
0x45: {  	_ =	shalt  }
0x46: {  	_ =	shalt  }
0x47: {  	_ =	shalt  }
0x48: {  	_ =	shalt  }
0x49: {  	_ =	shalt  }
0x4a: {  	_ =	shalt  }
0x4b: {  	_ =	shalt  }
0x4c: {  	_ =	shalt  }
0x4d: {  	_ =	shalt  }
0x4e: {  	_ =	shalt  }
0x4f: {  	_ =	shalt  }
0x50: {  	_ =	shalt  }
0x51: {  	_ =	shalt  }
0x52: {  	_ =	shalt  }
0x53: {  	_ =	shalt  }
0x54: {  	_ =	shalt  }
0x55: {  	_ =	shalt  }
0x56: {  	_ =	shalt  }
0x57: {  	_ =	shalt  }
0x58: {  	_ =	shalt  }
0x59: {  	_ =	shalt  }
0x5a: {  	_ =	shalt  }
0x5b: {  	_ =	shalt  }
0x5c: {  	_ =	shalt  }
0x5d: {  	_ =	shalt  }
0x5e: {  	_ =	shalt  }
0x5f: {  	_ =	shalt  }
0x60: {  	_ =	shalt  }
0x61: {  	_ =	shalt  }
0x62: {  	_ =	shalt  }
0x63: {  	_ =	shalt  }
0x64: {  	_ =	shalt  }
0x65: {  	_ =	shalt  }
0x66: {  	_ =	shalt  }
0x67: {  	_ =	shalt  }
0x68: {  	_ =	shalt  }
0x69: {  	_ =	shalt  }
0x6a: {  	_ =	shalt  }
0x6b: {  	_ =	shalt  }
0x6c: {  	_ =	shalt  }
0x6d: {  	_ =	shalt  }
0x6e: {  	_ =	shalt  }
0x6f: {  	_ =	shalt  }
0x70: {  	_ =	shalt  }
0x71: {  	_ =	shalt  }
0x72: {  	_ =	shalt  }
0x73: {  	_ =	shalt  }
0x74: {  	_ =	shalt  }
0x75: {  	_ =	shalt  }
0x76: {  	_ =	shalt  }
0x77: {  	_ =	shalt  }
0x78: {  	_ =	shalt  }
0x79: {  	_ =	shalt  }
0x7a: {  	_ =	shalt  }
0x7b: {  	_ =	shalt  }
0x7c: {  	_ =	shalt  }
0x7d: {  	_ =	shalt  }
0x7e: {  	_ =	shalt  }
0x7f: {  	_ =	shalt  }
0x80: {  	_ =	shalt  }
0x81: {  	_ =	shalt  }
0x82: {  	_ =	shalt  }
0x83: {  	_ =	shalt  }
0x84: {  	_ =	shalt  }
0x85: {  	_ =	shalt  }
0x86: {  	_ =	shalt  }
0x87: {  	_ =	shalt  }
.Lfunc_end0:
.L_simem_size_0:
called_computation_lowered:
.L_overlay_start_0:
0x88: {  	s2 =	sld [smem:$0x3FD9]  }
0x89: {  	s3 =	sld [smem:$0x3FFE];
	_ =	sdelay $0x1  }
0x8a: {  	s1 =	srdreg.scid  }
0x8b: {  	s0 =	sand.u32 $0x1, s1  }
0x8c: {  	s14 =	sshll.u32 s0, $0xA;
	s2 =	sadd.s32 s3, s2  }
0x8d: {  	s2 =	sadd.s32 s2, s14  }
0x8e: {  	[smem:$0x3FBF] =	sst s2  }
0x8f: {  	_ = 	snop  }
0x90: {  	s2 =	sld [smem:$0x3FD0];
	_ =	sdelay $0x2  }
0x91: {  	s4 =	simm.s32 $0xA;
	s5 =	simm.s32 $0x10;
	s15 =	sld [smem:$0x3FC5]  }
0x92: {  	[smem:s5], [sflag:s4] =	dma.local [hbm:s2], $0x1  }
0x93: {  	_ =	swait.eq [sflag:s4], $0x1  }
0x94: {  	[sflag:s4] =	ssyncset.done $0x0  }
0x95: {  	s16 =	sld [smem:$0x10];
	[sflag:s4] =	ssyncadd.s32 $0xFFFFFFFF  }
0x96: {  	s17 =	sld [smem:$0x11];
	(tm) =	ssettm $0x1  }
0x97: {  	s18 =	sld [smem:$0x3FFB];
	_ =	sdelay $0x3  }
0x98: {  	_ =	strace s18  }
0x99: {  	s5 =	sld [smem:$0x3FFC];
	_ =	sdelay $0x3  }
0x9a: {  	_ =	strace s5  }
0x9b: {  	s5 =	sld [smem:$0x3FFD];
	_ =	sdelay $0x3  }
0x9c: {  	_ =	strace s5  }
0x9d: {  	_ =	strace $0x8FFFFFFF  }
0x9e: {  	s19 =	sld [smem:$0x3FDB];
	_ =	sdelay $0x1  }
0x9f: {  	s6 =	simm.s32 $_scs_section_size  }
0xa0: {  	s7 =	simm.s32 $_size__tile_overlayer_lowered;
	s8 =	simm.s32 $_tile_overlayer_lowered  }
0xa1: {  	s22 =	simm.s32 $0x1BFF;
	s21 =	sshll.u32 s8, $0x1;
	s5 =	sadd.s32 s6, s19  }
0xa2: {  	s9 =	simm.s32 $0x0;
	s20 =	sshll.u32 s7, $0x1;
	s7 =	sadd.s32 s21, s5  }
0xa3: {  	[timem:s9], [sflag:s22] =	dma.local [hbm:s7], s20  }
0xa4: {  	_ =	swait.ge [sflag:s22], s20  }
0xa5: {  	s6 =	ssub.s32 $0x0, s20;
	[sflag:s22] =	ssyncset.done $0x0  }
0xa6: {  	[sflag:s22] =	ssyncadd.s32 s6;
	_ =	sdelay $0x1  }
0xa7: {  	s23 =	simm.s32 $0x1B8B  }
0xa8: {  	_ =	swait.ge [sflag:s23], $0x1  }
0xa9: {  	[sflag:s23] =	ssyncset.done $0x0  }
0xaa: {  	s25 =	simm.s32 $0x1B8E;
	s24 =	sld [smem:$0x3FFE];
	[sflag:s23] =	ssyncadd.s32 $0xFFFFFFFF  }
0xab: {  	s26 =	simm.s32 $execute0_lowered;
	[smem:$0x3FD2] =	sst s25  }
0xac: {  	s7 =	sshll.u32 s26, $0x1;
	_ =	strace $0x80000046;
	[dreg:$0x1] =	wrdreg $0xFFFFFFFF  }
0xad: {  	s28 =	simm.s32 $_size_execute0_lowered;
	s5 =	sadd.s32 s5, s7;
	[dreg:$0x0] =	wrdreg $0x0  }
0xae: {  	s7 =	sshll.u32 s28, $0x1;
	[dreg:$0x2] =	wrdreg s5  }
0xaf: {  	[dreg:$0x3] =	wrdreg s7  }
0xb0: {  	[dreg:$0x4] =	wrdreg $0xC0  }
0xb1: {  	_ =	task [dreg:s9], $0x5FFFF  }
0xb2: {  	[dreg:$0x1] =	wrdreg $0xFFFFFFFF  }
0xb3: {  	[dreg:$0x0] =	wrdreg $0x60  }
0xb4: {  	[dreg:$0x2] =	wrdreg s24  }
0xb5: {  	[dreg:$0x3] =	wrdreg s15  }
0xb6: {  	[dreg:$0x4] =	wrdreg s17  }
0xb7: {  	[dreg:$0x5] =	wrdreg s16  }
0xb8: {  	[dreg:$0x6] =	wrdreg $0x64000  }
0xb9: {  	[dreg:$0x7] =	wrdreg $0x70080  }
0xba: {  	[dreg:$0x8] =	wrdreg $0xB9E80  }
0xbb: {  	[dreg:$0x9] =	wrdreg $0xC1100  }
0xbc: {  	[dreg:$0xa] =	wrdreg $0x9  }
0xbd: {  	_ =	task.clear_ibuf [dreg:s9], $0xBFFFF;
	_ =	strace $0x90000046  }
0xbe: {  	s29 =	simm.s32 $0x9;
	_ =	strace $0x80000048  }
0xbf: {  	_ =	swait.ge [sflag:s29], $0x1  }
0xc0: {  	[sflag:s29] =	ssyncadd.s32 $0xFFFFFFFF  }
0xc1: {  	_ =	strace $0x90000048  }
0xc2: {  	_ =	sfence  }
0xc3: {  	s30 =	sld [smem:$0x0];
	_ =	sdelay $0x2  }
0xc4: {  	s31 =	sshll.u32 s1, $0xD;
	s1 =	sshrl.u32 s1, $0x2  }
0xc5: {  	s3 =	sand.u32 $0x4000, s31;
	s1 =	sadd.s32 s1, s30  }
0xc6: {  	s0 =	sor.u32 s3, s0;
	s1 =	sshll.u32 s1, $0x11  }
0xc7: {  	s0 =	sor.u32 s1, s0  }
0xc8: {  	s0 =	sadd.s32 $0x8F2B, s0  }
0xc9: {  	[sflag:s0] =	ssyncadd.remote.s32 $0x1  }
0xca: {  	_ =	sfence.sel $0xFFFF  }
0xcb: {  	[dreg:$0x0] =	wrdreg $0xFFFFFFFF;
	(pc) =	sbr.abs _section_cstart, $3  }
0xcc: {  	[dreg:$0x1] =	wrdreg $0xFFFFFFFF  }
0xcd: {  	_ =	task.clear_ibuf [dreg:s9], $0x2FFFF;
	_ =	strace $0x9FFFFFFF  }
0xce: {  	(tm) =	ssettm $0x7FFFFFFF  }
0xcf: {  	_ =	shalt  }
tec
execute0_lowered:
.L_overlay_start_1:
0x0: {  	(tag) =	ssettag $0x1  }
0x1: {  	s0 =	rddreg [dreg:$0x0]  }
0x2: {  	s4 =	rddreg [dreg:$0x1]  }
0x3: {  	s1 =	rddreg [dreg:$0x3]  }
0x4: {  	s2 =	rddreg [dreg:$0x4]  }
0x5: {  	s3 =	rddreg [dreg:$0x5];
	s6 =	srdreg.scid  }
0x6: {  	s8 =	stileid.u32;
	s5 =	rddreg [dreg:$0x6];
	s28 =	simm.s32 $0x5  }
0x7: {  	s29 =	simm.s32 $0x16C28;
	s30 =	simm.s32 $0x178A8;
	s9 =	sand.u32 $0x1, s6  }
0x8: {  	s7 =	sshll.u32 s8, $0x1;
	s6 =	rddreg [dreg:$0x7];
	s13 =	sadd.s32 $0x2600, s0  }
0x9: {  	s31 =	sadd.s32 $0x1600, s0;
	s14 =	sadd.s32 $0x1400, s0;
	p0 =	sne.s32 s8, $0x0  }
0xa: {  	s8 =	simm.s32 $0xF128;
	s10 =	sor.u32 s9, s7;
	s7 =	simm.s32 $0x0  }
0xb: {  	s9 =	ssub.s32 $0x2, s9;
	s11 =	smul.u32 $0x320, s10;
	[smem:$0x7FF] =	sst s7  }
0xc: {  	s12 =	smul.u32 $0xC80, s10;
	_ =	strace $0x80000047;
	[dreg:$0x9] =	wrdreg s13  }
0xd: {  	s15 =	sshrl.u32 s9, $0x1;
	s16 =	smul.u32 $0x3200, s10;
	[dreg:$0xa] =	wrdreg s31  }
0xe: {  	[dreg:$0xb] =	wrdreg s14;
	s9 =	ssub.s32 s9, s15;
	s15 =	smul.u32 $0x64000, s10  }
0xf: {  	s10 =	simm.s32 $0xD128;
	s11 =	sadd.s32 s11, s0;
	s9 =	smax.u32 s9, $0x1  }
0x10: {  	s13 =	simm.s32 $0x3;
	s17 =	sadd.s32 $0x4000, s11;
	[dreg:$0x11] =	wrdreg s9  }
0x11: {  	s14 =	simm.s32 $0x4;
	s18 =	sadd.s32 $0xA400, s11;
	[dreg:$0xc] =	wrdreg s17  }
0x12: {  	s12 =	sshrl.u32 s12, $0x3;
	s19 =	sadd.s32 $0x10800, s11;
	[dreg:$0xd] =	wrdreg s18  }
0x13: {  	s0 =	sadd.s32 s12, s0;
	s11 =	sadd.s32 $0x16C00, s11;
	[dreg:$0xe] =	wrdreg s19  }
0x14: {  	s20 =	sshrl.u32 s16, $0x3;
	[dreg:$0xf] =	wrdreg s11;
	s21 =	sadd.s32 $0x29800, s0  }
0x15: {  	s16 =	simm.s32 $0x15328;
	s22 =	sadd.s32 $0x1D000, s0;
	[dreg:$0x10] =	wrdreg s21  }
0x16: {  	s9 =	simm.s32 $0x1;
	s23 =	sadd.s32 $0x20200, s0;
	[dreg:$0x12] =	wrdreg s22  }
0x17: {  	s12 =	simm.s32 $0x10128;
	s24 =	sadd.s32 $0x23400, s0;
	[dreg:$0x13] =	wrdreg s23  }
0x18: {  	s18 =	sadd.s32 s4, s20;
	s25 =	sadd.s32 $0x26600, s0;
	[dreg:$0x14] =	wrdreg s24  }
0x19: {  	s26 =	sadd.s32 $0x2CA00, s0;
	s31 =	sadd.s32 $0x2FC00, s0;
	[dreg:$0x15] =	wrdreg s25  }
0x1a: {  	v0 =	vlaneseq.u32;
	s0 =	sadd.s32 $0x32E00, s0;
	s4 =	simm.s32 $0x80;
	[dreg:$0x16] =	wrdreg s26  }
0x1b: {  	v0 =	vmul.u32 $0x4, v0;
	s11 =	simm.s32 $0x2;
	s17 =	simm.s32 $0x15FA8;
	[dreg:$0x17] =	wrdreg s31  }
0x1c: {  	v1 =	vimm.bf16 $0.0e+00;
	s19 =	simm.s32 $0x0;
	[dreg:$0x18] =	wrdreg s0;
	s26 =	sadd.s32 $0xC800, s18  }
0x1d: {  	v2 =	vor.u32 $0x1, v0;
	v3 =	vor.u32 $0x2, v0;
	v4 =	vor.u32 $0x3, v0;
	s24 =	simm.s32 $0x1900;
	s25 =	simm.s32 $0x3200;
	s0 =	simm.s32 $0xC128  }
.LBB2_1:
0x1e: {  	s20 =	sshrl.u32 @!p0 s2, $0x3;
	s21 =	simm.s32 @!p0 $0x1C05;
	s22 =	rddreg [dreg:$0x9]  }
0x1f: {  	[spmem:s20], [sflag:s21] =	dma.local @!p0 [hbm:s22], $0x180C  }
0x20: {  	s20 =	simm.s32 @!p0 $0x5  }
0x21: {  	_ =	swait.ge @!p0 [sflag:s20], $0x180C  }
0x22: {  	[sflag:s20] =	ssyncset.done @!p0 $0x0  }
0x23: {  	[sflag:s20] =	ssyncadd.s32 @!p0 $0xFFFFE7F4  }
0x24: {  	s22 =	sshrl.u32 @!p0 s3, $0x3;
	s23 =	rddreg [dreg:$0x2]  }
0x25: {  	[spmem:s22], [sflag:s21] =	dma.local @!p0 [hbm:s23], $0x93C0  }
0x26: {  	_ =	swait.ge @!p0 [sflag:s20], $0x93C0  }
0x27: {  	[sflag:s20] =	ssyncset.done @!p0 $0x0  }
0x28: {  	s22 =	sshrl.u32 @!p0 s5, $0x3;
	s23 =	rddreg [dreg:$0xa];
	[sflag:s20] =	ssyncadd.s32 @!p0 $0xFFFF6C40  }
0x29: {  	[spmem:s22], [sflag:s21] =	dma.local @!p0 [hbm:s23], $0xE48  }
0x2a: {  	_ =	swait.ge @!p0 [sflag:s20], $0xE48  }
0x2b: {  	[sflag:s20] =	ssyncset.done @!p0 $0x0  }
0x2c: {  	s22 =	sshrl.u32 @!p0 s6, $0x3;
	s23 =	rddreg [dreg:$0xb];
	[sflag:s20] =	ssyncadd.s32 @!p0 $0xFFFFF1B8  }
0x2d: {  	[spmem:s22], [sflag:s21] =	dma.local @!p0 [hbm:s23], $0x2C  }
0x2e: {  	_ =	swait.ge @!p0 [sflag:s20], $0x2C  }
0x2f: {  	[sflag:s20] =	ssyncset.done @!p0 $0x0  }
0x30: {  	s31 =	rddreg [dreg:$0xc];
	[sflag:s20] =	ssyncadd.s32 @!p0 $0xFFFFFFD4  }
0x31: {  	[tilespmem:s7], [sflag:$0x5] =	stream.linear.gather [hbm4b:s31+s7], $0x1900, $0x38;
	[tilespmem:$0x18528] =	vst v63  }
0x32: {  	_ =	swait.ge [sflag:s28], $0x1900  }
0x33: {  	[sflag:s28] =	ssyncset.done $0x0  }
0x34: {  	s21 =	rddreg [dreg:$0xd];
	[sflag:s28] =	ssyncadd.s32 $0xFFFFE700  }
0x35: {  	[tilespmem:s24], [sflag:$0x5] =	stream.linear.gather [hbm4b:s21+s7], $0x1900, $0x38;
	[tilespmem:$0x18528] =	vst v63  }
0x36: {  	_ =	swait.ge [sflag:s28], $0x1900  }
0x37: {  	[sflag:s28] =	ssyncset.done $0x0  }
0x38: {  	s22 =	rddreg [dreg:$0xe];
	[sflag:s28] =	ssyncadd.s32 $0xFFFFE700  }
0x39: {  	[tilespmem:s25], [sflag:$0x5] =	stream.linear.gather [hbm4b:s22+s7], $0x1900, $0x38;
	[tilespmem:$0x18528] =	vst v63  }
0x3a: {  	_ =	swait.ge [sflag:s28], $0x1900  }
0x3b: {  	[sflag:s28] =	ssyncset.done $0x0  }
0x3c: {  	s31 =	simm.s32 $0x4B00;
	s23 =	rddreg [dreg:$0xf];
	[sflag:s28] =	ssyncadd.s32 $0xFFFFE700  }
0x3d: {  	[tilespmem:s31], [sflag:$0x5] =	stream.linear.gather [hbm4b:s23+s7], $0x1900, $0x38;
	[tilespmem:$0x18528] =	vst v63  }
0x3e: {  	_ =	swait.ge [sflag:s28], $0x1900  }
0x3f: {  	[sflag:s28] =	ssyncset.done $0x0  }
0x40: {  	[sflag:s28] =	ssyncadd.s32 $0xFFFFE700  }
0x41: {  	s20 =	simm.s32 $0x0;
	s21 =	simm.s32 $0x200;
	[bflag:$0x0] =	sbarrier.arrive $0xFFFF  }
.LBB2_2:
0x42: {  	p1 =	sne.s32 s21, $0x3E00;
	[tilespmem:s20+$0xC198] =	vst v1  }
0x43: {  	[tilespmem:s20+$0xC128] =	vst v1  }
0x44: {  	[tilespmem:s20+$0xC138] =	vst v1  }
.Ltmp0:
0x45: {  	[tilespmem:s20+$0xC148] =	vst v1;
	(pc) =	sbr.rel @p1 .LBB2_2-.Ltmp0, $4  }
0x46: {  	[tilespmem:s20+$0xC158] =	vst v1  }
0x47: {  	[tilespmem:s20+$0xC168] =	vst v1  }
0x48: {  	[tilespmem:s20+$0xC178] =	vst v1  }
0x49: {  	[tilespmem:s20+$0xC188] =	vst v1;
	s20 =	sshra.s32 s21, $0x2;
	s21 =	sadd.s32 $0x200, s21  }
0x4a: {  	[tilespmem:s20+$0xC198] =	vst v1  }
0x4b: {  	[tilespmem:s20+$0xC128] =	vst v1  }
0x4c: {  	[tilespmem:s20+$0xC138] =	vst v1  }
0x4d: {  	[tilespmem:s20+$0xC148] =	vst v1  }
0x4e: {  	[tilespmem:s20+$0xC158] =	vst v1  }
0x4f: {  	[tilespmem:s20+$0xC168] =	vst v1  }
0x50: {  	[tilespmem:s20+$0xC178] =	vst v1  }
0x51: {  	[tilespmem:s20+$0xC188] =	vst v1;
	s31 =	simm.s32 $0x0  }
0x52: {  	[tilespmem:s0], [sflag:$0x1] =	stream.indirect.gather.add.bf16 [spmem:s2], $0x20, s31, s4, $0xb8;
	[tilespmem:$0x18528] =	vst v63  }
0x53: {  	_ = 	snop  }
0x54: {  	[tilespmem:s0], [sflag:$0x1] =	stream.indirect.gather.add.bf16 [spmem:s3], $0x20, s24, s4, $0xb8;
	[tilespmem:$0x18528] =	vst v63  }
0x55: {  	_ = 	snop  }
0x56: {  	[tilespmem:s0], [sflag:$0x1] =	stream.indirect.gather.add.bf16 [spmem:s5], $0x20, s25, s4, $0xb8;
	[tilespmem:$0x18528] =	vst v63  }
0x57: {  	s25 =	simm.s32 $0x4B00  }
0x58: {  	[tilespmem:s0], [sflag:$0x1] =	stream.indirect.gather.add.bf16 [spmem:s6], $0x20, s25, s4, $0xb8;
	[tilespmem:$0x18528] =	vst v63  }
.LBB2_4:
0x59: {  	s21 =	simm.s32 $0x0;
	s20 =	simm.s32 $0x200  }
.LBB2_5:
0x5a: {  	p1 =	sne.s32 s20, $0x3E00;
	[tilespmem:s21+$0xF198] =	vst v1  }
0x5b: {  	[tilespmem:s21+$0xF128] =	vst v1  }
0x5c: {  	[tilespmem:s21+$0xF138] =	vst v1  }
.Ltmp1:
0x5d: {  	[tilespmem:s21+$0xF148] =	vst v1;
	(pc) =	sbr.rel @p1 .LBB2_5-.Ltmp1, $4  }
0x5e: {  	[tilespmem:s21+$0xF158] =	vst v1  }
0x5f: {  	[tilespmem:s21+$0xF168] =	vst v1  }
0x60: {  	[tilespmem:s21+$0xF178] =	vst v1  }
0x61: {  	[tilespmem:s21+$0xF188] =	vst v1;
	s21 =	sshra.s32 s20, $0x2;
	s20 =	sadd.s32 $0x200, s20  }
0x62: {  	[tilespmem:s21+$0xF198] =	vst v1  }
0x63: {  	[tilespmem:s21+$0xF128] =	vst v1  }
0x64: {  	[tilespmem:s21+$0xF138] =	vst v1  }
0x65: {  	[tilespmem:s21+$0xF148] =	vst v1  }
0x66: {  	[tilespmem:s21+$0xF158] =	vst v1  }
0x67: {  	[tilespmem:s21+$0xF168] =	vst v1  }
0x68: {  	[tilespmem:s21+$0xF178] =	vst v1;
	s20 =	sshllo.u32 s31, $0x1  }
0x69: {  	[tilespmem:s21+$0xF188] =	vst v1;
	s24 =	sshll.u32 s20, $0x7  }
0x6a: {  	[tilespmem:s8], [sflag:$0x2] =	stream.indirect.gather.add.bf16 [spmem:s2], $0x20, s24, s4, $0xb8;
	[tilespmem:$0x18528] =	vst v63  }
0x6b: {  	s22 =	sadd.s32 $0x1900, s24  }
0x6c: {  	[tilespmem:s8], [sflag:$0x2] =	stream.indirect.gather.add.bf16 [spmem:s3], $0x20, s22, s4, $0xb8;
	[tilespmem:$0x18528] =	vst v63  }
0x6d: {  	s25 =	sadd.s32 $0x3200, s24  }
0x6e: {  	[tilespmem:s8], [sflag:$0x2] =	stream.indirect.gather.add.bf16 [spmem:s5], $0x20, s25, s4, $0xb8;
	[tilespmem:$0x18528] =	vst v63  }
0x6f: {  	s21 =	sadd.s32 $0x4B00, s24  }
0x70: {  	[tilespmem:s8], [sflag:$0x2] =	stream.indirect.gather.add.bf16 [spmem:s6], $0x20, s21, s4, $0xb8;
	[tilespmem:$0x18528] =	vst v63  }
0x71: {  	_ =	swait.ge [sflag:s9], $0x1000  }
0x72: {  	[sflag:s9] =	ssyncset.done $0x0  }
0x73: {  	[sflag:s9] =	ssyncadd.s32 $0xFFFFF000  }
0x74: {  	_ =	swait.ge [sflag:s9], $0x1000  }
0x75: {  	[sflag:s9] =	ssyncset.done $0x0  }
0x76: {  	[sflag:s9] =	ssyncadd.s32 $0xFFFFF000  }
0x77: {  	_ =	swait.ge [sflag:s9], $0x1000  }
0x78: {  	[sflag:s9] =	ssyncset.done $0x0  }
0x79: {  	[sflag:s9] =	ssyncadd.s32 $0xFFFFF000  }
0x7a: {  	_ =	swait.ge [sflag:s9], $0x1000  }
0x7b: {  	p1 =	seq.s32 s31, $0x0;
	[sflag:s9] =	ssyncset.done $0x0  }
0x7c: {  	s21 =	simm.s32 @!p1 $0x3;
	[sflag:s9] =	ssyncadd.s32 $0xFFFFF000  }
0x7d: {  	_ =	swait.ge @!p1 [sflag:s21], $0x2000  }
0x7e: {  	[sflag:s21] =	ssyncset.done @!p1 $0x0  }
0x7f: {  	s22 =	simm.s32 $0x0;
	[sflag:s21] =	ssyncadd.s32 @!p1 $0xFFFFE000  }
0x80: {  	v5 =	vld [tilespmem:s22+$0xC128];
	_ =	sdelay $0x4  }
0x81: {  	s21 =	simm.s32 $0xD1A8;
	v6 =	vshll.u32 v5, $0x10  }
0x82: {  	v5 =	vand.u32 $0xFFFF0000, v5;
	[tilespmem:s21+$0xFFFFFF80] =	vst v6  }
0x83: {  	[tilespmem:s21+$0xFFFFFF90] =	vst v5  }
0x84: {  	v5 =	vld [tilespmem:s22+$0xC138];
	_ =	sdelay $0x4  }
0x85: {  	v6 =	vshll.u32 v5, $0x10  }
0x86: {  	v5 =	vand.u32 $0xFFFF0000, v5;
	[tilespmem:s21+$0xFFFFFFA0] =	vst v6  }
0x87: {  	[tilespmem:s21+$0xFFFFFFB0] =	vst v5  }
0x88: {  	v5 =	vld [tilespmem:s22+$0xC928];
	_ =	sdelay $0x4  }
0x89: {  	v6 =	vshll.u32 v5, $0x10  }
0x8a: {  	v5 =	vand.u32 $0xFFFF0000, v5;
	[tilespmem:s21+$0xFFFFFFC0] =	vst v6  }
0x8b: {  	[tilespmem:s21+$0xFFFFFFD0] =	vst v5  }
0x8c: {  	v5 =	vld [tilespmem:s22+$0xC938];
	_ =	sdelay $0x4  }
0x8d: {  	v6 =	vshll.u32 v5, $0x10  }
0x8e: {  	v5 =	vand.u32 $0xFFFF0000, v5;
	[tilespmem:s21+$0xFFFFFFE0] =	vst v6  }
0x8f: {  	[tilespmem:s21+$0xFFFFFFF0] =	vst v5  }
0x90: {  	v5 =	vld [tilespmem:s22+$0xC148];
	_ =	sdelay $0x4  }
0x91: {  	v6 =	vshll.u32 v5, $0x10  }
0x92: {  	v5 =	vand.u32 $0xFFFF0000, v5;
	[tilespmem:s21+$0x0] =	vst v6  }
0x93: {  	[tilespmem:s21+$0x10] =	vst v5  }
0x94: {  	v5 =	vld [tilespmem:s22+$0xC158];
	_ =	sdelay $0x4  }
0x95: {  	v6 =	vshll.u32 v5, $0x10  }
0x96: {  	v5 =	vand.u32 $0xFFFF0000, v5;
	[tilespmem:s21+$0x20] =	vst v6  }
0x97: {  	[tilespmem:s21+$0x30] =	vst v5  }
0x98: {  	v5 =	vld [tilespmem:s22+$0xC948];
	_ =	sdelay $0x4  }
0x99: {  	v6 =	vshll.u32 v5, $0x10  }
0x9a: {  	s23 =	simm.s32 $0x100;
	s24 =	simm.s32 $0xD1A8;
	v5 =	vand.u32 $0xFFFF0000, v5;
	[tilespmem:s21+$0x40] =	vst v6  }
.LBB2_7:
0x9b: {  	p2 =	sne.s32 s23, $0x1F00  }
0x9c: {  	[tilespmem:s21+$0x50] =	vst v5;
	s24 =	sadd.s32 $0x100, s24;
	s25 =	smov.u32 s23;
	s23 =	sadd.s32 $0x100, s23  }
0x9d: {  	v5 =	vld [tilespmem:s22+$0xC958];
	_ =	sdelay $0x4  }
0x9e: {  	v6 =	vshll.u32 v5, $0x10;
	v5 =	vand.u32 $0xFFFF0000, v5  }
0x9f: {  	[tilespmem:s21+$0x60] =	vst v6  }
0xa0: {  	s22 =	sshra.s32 s25, $0x2;
	[tilespmem:s21+$0x70] =	vst v5;
	s21 =	smov.u32 s24  }
0xa1: {  	v5 =	vld [tilespmem:s22+$0xC128];
	_ =	sdelay $0x4  }
0xa2: {  	v6 =	vshll.u32 v5, $0x10;
	v5 =	vand.u32 $0xFFFF0000, v5  }
0xa3: {  	[tilespmem:s24+$0xFFFFFF80] =	vst v6  }
0xa4: {  	[tilespmem:s24+$0xFFFFFF90] =	vst v5  }
0xa5: {  	v5 =	vld [tilespmem:s22+$0xC138];
	_ =	sdelay $0x4  }
0xa6: {  	v6 =	vshll.u32 v5, $0x10;
	v5 =	vand.u32 $0xFFFF0000, v5  }
0xa7: {  	[tilespmem:s24+$0xFFFFFFA0] =	vst v6  }
0xa8: {  	[tilespmem:s24+$0xFFFFFFB0] =	vst v5  }
0xa9: {  	v5 =	vld [tilespmem:s22+$0xC928];
	_ =	sdelay $0x4  }
0xaa: {  	v6 =	vshll.u32 v5, $0x10;
	v5 =	vand.u32 $0xFFFF0000, v5  }
0xab: {  	[tilespmem:s24+$0xFFFFFFC0] =	vst v6  }
0xac: {  	[tilespmem:s24+$0xFFFFFFD0] =	vst v5  }
0xad: {  	v5 =	vld [tilespmem:s22+$0xC938];
	_ =	sdelay $0x4  }
0xae: {  	v6 =	vshll.u32 v5, $0x10;
	v5 =	vand.u32 $0xFFFF0000, v5  }
0xaf: {  	[tilespmem:s24+$0xFFFFFFE0] =	vst v6  }
0xb0: {  	[tilespmem:s24+$0xFFFFFFF0] =	vst v5  }
0xb1: {  	v5 =	vld [tilespmem:s22+$0xC148];
	_ =	sdelay $0x4  }
0xb2: {  	v6 =	vshll.u32 v5, $0x10;
	v5 =	vand.u32 $0xFFFF0000, v5  }
0xb3: {  	[tilespmem:s24+$0x0] =	vst v6  }
0xb4: {  	[tilespmem:s24+$0x10] =	vst v5  }
0xb5: {  	v5 =	vld [tilespmem:s22+$0xC158];
	_ =	sdelay $0x4  }
0xb6: {  	v6 =	vshll.u32 v5, $0x10;
	v5 =	vand.u32 $0xFFFF0000, v5  }
0xb7: {  	[tilespmem:s24+$0x20] =	vst v6  }
0xb8: {  	[tilespmem:s24+$0x30] =	vst v5  }
0xb9: {  	v5 =	vld [tilespmem:s22+$0xC948];
	_ =	sdelay $0x1  }
.Ltmp2:
0xba: {  	(pc) =	sbr.rel @p2 .LBB2_7-.Ltmp2, $3  }
0xbb: {  	_ =	sdelay $0x1  }
0xbc: {  	v6 =	vshll.u32 v5, $0x10;
	v5 =	vand.u32 $0xFFFF0000, v5  }
0xbd: {  	[tilespmem:s24+$0x40] =	vst v6  }
0xbe: {  	[tilespmem:s21+$0x50] =	vst v5  }
0xbf: {  	v5 =	vld [tilespmem:s22+$0xC958];
	_ =	sdelay $0x2  }
0xc0: {  	p2 =	seq.s32 s31, $0x18  }
.Ltmp3:
0xc1: {  	s24 =	sshll.u32 s31, $0xE;
	(pc) =	sbr.rel @p2 .LBB2_12-.Ltmp3, $4  }
0xc2: {  	s22 =	sadd.s32 s15, s24;
	v6 =	vshll.u32 v5, $0x10  }
0xc3: {  	s22 =	sshrl.u32 s22, $0x3;
	v5 =	vand.u32 $0xFFFF0000, v5;
	[tilespmem:s21+$0x60] =	vst v6  }
0xc4: {  	s25 =	sadd.s32 s1, s22;
	s22 =	simm.s32 $0x0;
	[tilespmem:s21+$0x70] =	vst v5  }
0xc5: {  	[hbm4b:s25+s22] =	stream.linear.scatter [tilespmem:s10], [sflag:$0x3], $0x2000, $0x38;
	[tilespmem:$0x18528] =	vst v63  }
0xc6: {  	s21 =	sshra.s32 s22, $0x2;
	s22 =	sadd.s32 $0x200, s22  }
.LBB2_10:
0xc7: {  	p2 =	sne.s32 s22, $0x3E00;
	[tilespmem:s21+$0xC198] =	vst v1  }
0xc8: {  	[tilespmem:s21+$0xC128] =	vst v1  }
0xc9: {  	[tilespmem:s21+$0xC138] =	vst v1  }
.Ltmp4:
0xca: {  	[tilespmem:s21+$0xC148] =	vst v1;
	(pc) =	sbr.rel @p2 .LBB2_10-.Ltmp4, $4  }
0xcb: {  	[tilespmem:s21+$0xC158] =	vst v1  }
0xcc: {  	[tilespmem:s21+$0xC168] =	vst v1  }
0xcd: {  	[tilespmem:s21+$0xC178] =	vst v1  }
0xce: {  	[tilespmem:s21+$0xC188] =	vst v1;
	s21 =	sshra.s32 s22, $0x2;
	s22 =	sadd.s32 $0x200, s22  }
0xcf: {  	[tilespmem:s21+$0xC198] =	vst v1  }
0xd0: {  	[tilespmem:s21+$0xC128] =	vst v1  }
0xd1: {  	[tilespmem:s21+$0xC138] =	vst v1  }
0xd2: {  	[tilespmem:s21+$0xC148] =	vst v1  }
0xd3: {  	[tilespmem:s21+$0xC158] =	vst v1  }
0xd4: {  	[tilespmem:s21+$0xC168] =	vst v1  }
0xd5: {  	[tilespmem:s21+$0xC178] =	vst v1;
	s22 =	sshll.u32 s31, $0x8  }
0xd6: {  	[tilespmem:s21+$0xC188] =	vst v1;
	s25 =	sadd.s32 $0x100, s22  }
0xd7: {  	[tilespmem:s0], [sflag:$0x1] =	stream.indirect.gather.add.bf16 [spmem:s2], $0x20, s25, s4, $0xb8;
	[tilespmem:$0x18528] =	vst v63  }
0xd8: {  	s23 =	sadd.s32 $0x1A00, s22  }
0xd9: {  	[tilespmem:s0], [sflag:$0x1] =	stream.indirect.gather.add.bf16 [spmem:s3], $0x20, s23, s4, $0xb8;
	[tilespmem:$0x18528] =	vst v63  }
0xda: {  	s24 =	sadd.s32 $0x3300, s22  }
0xdb: {  	[tilespmem:s0], [sflag:$0x1] =	stream.indirect.gather.add.bf16 [spmem:s5], $0x20, s24, s4, $0xb8;
	[tilespmem:$0x18528] =	vst v63  }
0xdc: {  	s25 =	sadd.s32 $0x4C00, s22  }
0xdd: {  	[tilespmem:s0], [sflag:$0x1] =	stream.indirect.gather.add.bf16 [spmem:s6], $0x20, s25, s4, $0xb8;
	[tilespmem:$0x18528] =	vst v63  }
.LBB2_12:
0xde: {  	_ =	swait.ge [sflag:s11], $0x1000  }
0xdf: {  	[sflag:s11] =	ssyncset.done $0x0  }
0xe0: {  	[sflag:s11] =	ssyncadd.s32 $0xFFFFF000  }
0xe1: {  	_ =	swait.ge [sflag:s11], $0x1000  }
0xe2: {  	[sflag:s11] =	ssyncset.done $0x0  }
0xe3: {  	[sflag:s11] =	ssyncadd.s32 $0xFFFFF000  }
0xe4: {  	_ =	swait.ge [sflag:s11], $0x1000  }
0xe5: {  	[sflag:s11] =	ssyncset.done $0x0  }
0xe6: {  	[sflag:s11] =	ssyncadd.s32 $0xFFFFF000  }
0xe7: {  	_ =	swait.ge [sflag:s11], $0x1000  }
0xe8: {  	[sflag:s11] =	ssyncset.done $0x0  }
0xe9: {  	s21 =	simm.s32 @!p1 $0x4;
	[sflag:s11] =	ssyncadd.s32 $0xFFFFF000  }
0xea: {  	_ =	swait.ge @!p1 [sflag:s21], $0x2000  }
0xeb: {  	[sflag:s21] =	ssyncset.done @!p1 $0x0  }
0xec: {  	s22 =	simm.s32 $0x0;
	[sflag:s21] =	ssyncadd.s32 @!p1 $0xFFFFE000  }
0xed: {  	v5 =	vld [tilespmem:s22+$0xF128];
	_ =	sdelay $0x4  }
0xee: {  	s21 =	simm.s32 $0x101A8;
	v6 =	vshll.u32 v5, $0x10  }
0xef: {  	v5 =	vand.u32 $0xFFFF0000, v5;
	[tilespmem:s21+$0xFFFFFF80] =	vst v6  }
0xf0: {  	[tilespmem:s21+$0xFFFFFF90] =	vst v5  }
0xf1: {  	v5 =	vld [tilespmem:s22+$0xF138];
	_ =	sdelay $0x4  }
0xf2: {  	v6 =	vshll.u32 v5, $0x10  }
0xf3: {  	v5 =	vand.u32 $0xFFFF0000, v5;
	[tilespmem:s21+$0xFFFFFFA0] =	vst v6  }
0xf4: {  	[tilespmem:s21+$0xFFFFFFB0] =	vst v5  }
0xf5: {  	v5 =	vld [tilespmem:s22+$0xF928];
	_ =	sdelay $0x4  }
0xf6: {  	v6 =	vshll.u32 v5, $0x10  }
0xf7: {  	v5 =	vand.u32 $0xFFFF0000, v5;
	[tilespmem:s21+$0xFFFFFFC0] =	vst v6  }
0xf8: {  	[tilespmem:s21+$0xFFFFFFD0] =	vst v5  }
0xf9: {  	v5 =	vld [tilespmem:s22+$0xF938];
	_ =	sdelay $0x4  }
0xfa: {  	v6 =	vshll.u32 v5, $0x10  }
0xfb: {  	v5 =	vand.u32 $0xFFFF0000, v5;
	[tilespmem:s21+$0xFFFFFFE0] =	vst v6  }
0xfc: {  	[tilespmem:s21+$0xFFFFFFF0] =	vst v5  }
0xfd: {  	v5 =	vld [tilespmem:s22+$0xF148];
	_ =	sdelay $0x4  }
0xfe: {  	v6 =	vshll.u32 v5, $0x10  }
0xff: {  	v5 =	vand.u32 $0xFFFF0000, v5;
	[tilespmem:s21+$0x0] =	vst v6  }
0x100: {  	[tilespmem:s21+$0x10] =	vst v5  }
0x101: {  	v5 =	vld [tilespmem:s22+$0xF158];
	_ =	sdelay $0x4  }
0x102: {  	v6 =	vshll.u32 v5, $0x10  }
0x103: {  	v5 =	vand.u32 $0xFFFF0000, v5;
	[tilespmem:s21+$0x20] =	vst v6  }
0x104: {  	[tilespmem:s21+$0x30] =	vst v5  }
0x105: {  	v5 =	vld [tilespmem:s22+$0xF948];
	_ =	sdelay $0x4  }
0x106: {  	v6 =	vshll.u32 v5, $0x10  }
0x107: {  	s23 =	simm.s32 $0x100;
	s24 =	simm.s32 $0x101A8;
	v5 =	vand.u32 $0xFFFF0000, v5;
	[tilespmem:s21+$0x40] =	vst v6  }
.LBB2_13:
0x108: {  	p1 =	sne.s32 s23, $0x1F00  }
0x109: {  	[tilespmem:s21+$0x50] =	vst v5;
	s24 =	sadd.s32 $0x100, s24;
	s25 =	smov.u32 s23;
	s23 =	sadd.s32 $0x100, s23  }
0x10a: {  	v5 =	vld [tilespmem:s22+$0xF958];
	_ =	sdelay $0x4  }
0x10b: {  	v6 =	vshll.u32 v5, $0x10;
	v5 =	vand.u32 $0xFFFF0000, v5  }
0x10c: {  	[tilespmem:s21+$0x60] =	vst v6  }
0x10d: {  	s22 =	sshra.s32 s25, $0x2;
	[tilespmem:s21+$0x70] =	vst v5;
	s21 =	smov.u32 s24  }
0x10e: {  	v5 =	vld [tilespmem:s22+$0xF128];
	_ =	sdelay $0x4  }
0x10f: {  	v6 =	vshll.u32 v5, $0x10;
	v5 =	vand.u32 $0xFFFF0000, v5  }
0x110: {  	[tilespmem:s24+$0xFFFFFF80] =	vst v6  }
0x111: {  	[tilespmem:s24+$0xFFFFFF90] =	vst v5  }
0x112: {  	v5 =	vld [tilespmem:s22+$0xF138];
	_ =	sdelay $0x4  }
0x113: {  	v6 =	vshll.u32 v5, $0x10;
	v5 =	vand.u32 $0xFFFF0000, v5  }
0x114: {  	[tilespmem:s24+$0xFFFFFFA0] =	vst v6  }
0x115: {  	[tilespmem:s24+$0xFFFFFFB0] =	vst v5  }
0x116: {  	v5 =	vld [tilespmem:s22+$0xF928];
	_ =	sdelay $0x4  }
0x117: {  	v6 =	vshll.u32 v5, $0x10;
	v5 =	vand.u32 $0xFFFF0000, v5  }
0x118: {  	[tilespmem:s24+$0xFFFFFFC0] =	vst v6  }
0x119: {  	[tilespmem:s24+$0xFFFFFFD0] =	vst v5  }
0x11a: {  	v5 =	vld [tilespmem:s22+$0xF938];
	_ =	sdelay $0x4  }
0x11b: {  	v6 =	vshll.u32 v5, $0x10;
	v5 =	vand.u32 $0xFFFF0000, v5  }
0x11c: {  	[tilespmem:s24+$0xFFFFFFE0] =	vst v6  }
0x11d: {  	[tilespmem:s24+$0xFFFFFFF0] =	vst v5  }
0x11e: {  	v5 =	vld [tilespmem:s22+$0xF148];
	_ =	sdelay $0x4  }
0x11f: {  	v6 =	vshll.u32 v5, $0x10;
	v5 =	vand.u32 $0xFFFF0000, v5  }
0x120: {  	[tilespmem:s24+$0x0] =	vst v6  }
0x121: {  	[tilespmem:s24+$0x10] =	vst v5  }
0x122: {  	v5 =	vld [tilespmem:s22+$0xF158];
	_ =	sdelay $0x4  }
0x123: {  	v6 =	vshll.u32 v5, $0x10;
	v5 =	vand.u32 $0xFFFF0000, v5  }
0x124: {  	[tilespmem:s24+$0x20] =	vst v6  }
0x125: {  	[tilespmem:s24+$0x30] =	vst v5  }
0x126: {  	v5 =	vld [tilespmem:s22+$0xF948];
	_ =	sdelay $0x1  }
.Ltmp5:
0x127: {  	(pc) =	sbr.rel @p1 .LBB2_13-.Ltmp5, $3  }
0x128: {  	_ =	sdelay $0x1  }
0x129: {  	v6 =	vshll.u32 v5, $0x10;
	v5 =	vand.u32 $0xFFFF0000, v5  }
0x12a: {  	[tilespmem:s24+$0x40] =	vst v6  }
0x12b: {  	[tilespmem:s21+$0x50] =	vst v5  }
0x12c: {  	v5 =	vld [tilespmem:s22+$0xF958];
	_ =	sdelay $0x1  }
0x12d: {  	s31 =	sadd.s32 $0x1, s31  }
0x12e: {  	p1 =	sne.s32 s31, $0x19  }
.Ltmp6:
0x12f: {  	s20 =	sshll.u32 s20, $0xD;
	(pc) =	sbr.rel @p1 .LBB2_4-.Ltmp6, $4  }
0x130: {  	s20 =	sadd.s32 s15, s20;
	v6 =	vshll.u32 v5, $0x10  }
0x131: {  	s20 =	sshrl.u32 s20, $0x3;
	v5 =	vand.u32 $0xFFFF0000, v5;
	[tilespmem:s21+$0x60] =	vst v6  }
0x132: {  	s20 =	sadd.s32 s1, s20;
	[tilespmem:s21+$0x70] =	vst v5  }
0x133: {  	[hbm4b:s20+s7] =	stream.linear.scatter [tilespmem:s12], [sflag:$0x4], $0x2000, $0x38;
	[tilespmem:$0x18528] =	vst v63  }
0x134: {  	_ =	swait.ge [sflag:s13], $0x2000  }
0x135: {  	[sflag:s13] =	ssyncset.done $0x0  }
0x136: {  	[sflag:s13] =	ssyncadd.s32 $0xFFFFE000  }
0x137: {  	_ =	swait.ge [sflag:s14], $0x2000  }
0x138: {  	[sflag:s14] =	ssyncset.done $0x0  }
0x139: {  	s21 =	simm.s32 $0x0;
	s20 =	simm.s32 $0x12128;
	[sflag:s14] =	ssyncadd.s32 $0xFFFFE000  }
0x13a: {  	[tilespmem:s20], [sflag:$0x5] =	stream.linear.gather [hbm4b:s18+s21], $0x3200, $0x38;
	[tilespmem:$0x18528] =	vst v63  }
0x13b: {  	_ =	swait.ge [sflag:s28], $0x3200  }
0x13c: {  	[sflag:s28] =	ssyncset.done $0x0  }
0x13d: {  	[sflag:s28] =	ssyncadd.s32 $0xFFFFCE00  }
0x13e: {  	s22 =	simm.s32 $0x40;
	v5 =	vld.idx.msk [tilespmem:v0+s20+$0x0], $0xffff  }
.LBB2_16:
0x13f: {  	p1 =	sne.s32 s22, $0x31C0;
	_ =	sdelay $0x3  }
0x140: {  	s23 =	sshra.s32 s21, $0x2;
	s21 =	smov.u32 s22  }
0x141: {  	[tilespmem:s23+$0x15328] =	vst v5  }
0x142: {  	v5 =	vld.idx.msk [tilespmem:v2+s20+$0x0], $0xffff;
	_ =	sdelay $0x5  }
0x143: {  	[tilespmem:s23+$0x15FA8] =	vst v5  }
0x144: {  	v5 =	vld.idx.msk [tilespmem:v3+s20+$0x0], $0xffff;
	_ =	sdelay $0x5  }
0x145: {  	[tilespmem:s23+$0x16C28] =	vst v5  }
0x146: {  	v5 =	vld.idx.msk [tilespmem:v4+s20+$0x0], $0xffff;
	_ =	sdelay $0x2  }
.Ltmp7:
0x147: {  	(pc) =	sbr.rel @p1 .LBB2_16-.Ltmp7, $3  }
0x148: {  	_ =	sdelay $0x1  }
0x149: {  	s20 =	sadd.s32 $0x40, s20;
	[tilespmem:s23+$0x178A8] =	vst v5  }
0x14a: {  	s22 =	sadd.s32 $0x40, s22;
	v5 =	vld.idx.msk [tilespmem:v0+s20+$0x0], $0xffff  }
0x14b: {  	_ =	sdelay $0x2  }
0x14c: {  	s21 =	sshra.s32 s21, $0x2  }
0x14d: {  	[tilespmem:s21+$0x15328] =	vst v5  }
0x14e: {  	v5 =	vld.idx.msk [tilespmem:v2+s20+$0x0], $0xffff;
	_ =	sdelay $0x4  }
0x14f: {  	[tilespmem:s21+$0x15FA8] =	vst v5  }
0x150: {  	v5 =	vld.idx.msk [tilespmem:v3+s20+$0x0], $0xffff;
	_ =	sdelay $0x4  }
0x151: {  	[tilespmem:s21+$0x16C28] =	vst v5  }
0x152: {  	v5 =	vld.idx.msk [tilespmem:v4+s20+$0x0], $0xffff;
	_ =	sdelay $0x4  }
0x153: {  	s23 =	rddreg [dreg:$0x12];
	s20 =	simm.s32 $0x0;
	[tilespmem:s21+$0x178A8] =	vst v5  }
0x154: {  	[hbm4b:s23+s20] =	stream.linear.scatter [tilespmem:s16], [sflag:$0x5], $0xC80, $0x38;
	[tilespmem:$0x18528] =	vst v63  }
0x155: {  	_ =	swait.ge [sflag:s28], $0xC80  }
0x156: {  	[sflag:s28] =	ssyncset.done $0x0  }
0x157: {  	s24 =	rddreg [dreg:$0x13];
	[sflag:s28] =	ssyncadd.s32 $0xFFFFF380  }
0x158: {  	[hbm4b:s24+s20] =	stream.linear.scatter [tilespmem:s17], [sflag:$0x5], $0xC80, $0x38;
	[tilespmem:$0x18528] =	vst v63  }
0x159: {  	_ =	swait.ge [sflag:s28], $0xC80  }
0x15a: {  	[sflag:s28] =	ssyncset.done $0x0  }
0x15b: {  	s25 =	rddreg [dreg:$0x14];
	[sflag:s28] =	ssyncadd.s32 $0xFFFFF380  }
0x15c: {  	[hbm4b:s25+s20] =	stream.linear.scatter [tilespmem:s29], [sflag:$0x5], $0xC80, $0x38;
	[tilespmem:$0x18528] =	vst v63  }
0x15d: {  	_ =	swait.ge [sflag:s28], $0xC80  }
0x15e: {  	[sflag:s28] =	ssyncset.done $0x0  }
0x15f: {  	s31 =	rddreg [dreg:$0x15];
	[sflag:s28] =	ssyncadd.s32 $0xFFFFF380  }
0x160: {  	[hbm4b:s31+s20] =	stream.linear.scatter [tilespmem:s30], [sflag:$0x5], $0xC80, $0x38;
	[tilespmem:$0x18528] =	vst v63  }
0x161: {  	_ =	swait.ge [sflag:s28], $0xC80  }
0x162: {  	[sflag:s28] =	ssyncset.done $0x0  }
0x163: {  	s21 =	simm.s32 $0x12128;
	[sflag:s28] =	ssyncadd.s32 $0xFFFFF380  }
0x164: {  	[tilespmem:s21], [sflag:$0x5] =	stream.linear.gather [hbm4b:s26+s20], $0x3200, $0x38;
	[tilespmem:$0x18528] =	vst v63  }
0x165: {  	_ =	swait.ge [sflag:s28], $0x3200  }
0x166: {  	[sflag:s28] =	ssyncset.done $0x0  }
0x167: {  	[sflag:s28] =	ssyncadd.s32 $0xFFFFCE00  }
0x168: {  	s22 =	simm.s32 $0x40;
	s24 =	simm.s32 $0x1900;
	s25 =	simm.s32 $0x3200;
	v5 =	vld.idx.msk [tilespmem:v0+s21+$0x0], $0xffff  }
.LBB2_18:
0x169: {  	p1 =	sne.s32 s22, $0x31C0;
	_ =	sdelay $0x3  }
0x16a: {  	s23 =	sshra.s32 s20, $0x2;
	s20 =	smov.u32 s22  }
0x16b: {  	[tilespmem:s23+$0x15328] =	vst v5  }
0x16c: {  	v5 =	vld.idx.msk [tilespmem:v2+s21+$0x0], $0xffff;
	_ =	sdelay $0x5  }
0x16d: {  	[tilespmem:s23+$0x15FA8] =	vst v5  }
0x16e: {  	v5 =	vld.idx.msk [tilespmem:v3+s21+$0x0], $0xffff;
	_ =	sdelay $0x5  }
0x16f: {  	[tilespmem:s23+$0x16C28] =	vst v5  }
0x170: {  	v5 =	vld.idx.msk [tilespmem:v4+s21+$0x0], $0xffff;
	_ =	sdelay $0x2  }
.Ltmp8:
0x171: {  	(pc) =	sbr.rel @p1 .LBB2_18-.Ltmp8, $3  }
0x172: {  	_ =	sdelay $0x1  }
0x173: {  	s21 =	sadd.s32 $0x40, s21;
	[tilespmem:s23+$0x178A8] =	vst v5  }
0x174: {  	s22 =	sadd.s32 $0x40, s22;
	v5 =	vld.idx.msk [tilespmem:v0+s21+$0x0], $0xffff  }
0x175: {  	_ =	sdelay $0x2  }
0x176: {  	s20 =	sshra.s32 s20, $0x2  }
0x177: {  	[tilespmem:s20+$0x15328] =	vst v5  }
0x178: {  	v5 =	vld.idx.msk [tilespmem:v2+s21+$0x0], $0xffff;
	_ =	sdelay $0x4  }
0x179: {  	[tilespmem:s20+$0x15FA8] =	vst v5  }
0x17a: {  	v5 =	vld.idx.msk [tilespmem:v3+s21+$0x0], $0xffff;
	_ =	sdelay $0x4  }
0x17b: {  	[tilespmem:s20+$0x16C28] =	vst v5  }
0x17c: {  	v5 =	vld.idx.msk [tilespmem:v4+s21+$0x0], $0xffff;
	_ =	sdelay $0x4  }
0x17d: {  	s31 =	rddreg [dreg:$0x10];
	[tilespmem:s20+$0x178A8] =	vst v5  }
0x17e: {  	[hbm4b:s31+s7] =	stream.linear.scatter [tilespmem:s16], [sflag:$0x5], $0xC80, $0x38;
	[tilespmem:$0x18528] =	vst v63  }
0x17f: {  	_ =	swait.ge [sflag:s28], $0xC80  }
0x180: {  	[sflag:s28] =	ssyncset.done $0x0  }
0x181: {  	s21 =	rddreg [dreg:$0x16];
	[sflag:s28] =	ssyncadd.s32 $0xFFFFF380  }
0x182: {  	[hbm4b:s21+s7] =	stream.linear.scatter [tilespmem:s17], [sflag:$0x5], $0xC80, $0x38;
	[tilespmem:$0x18528] =	vst v63  }
0x183: {  	_ =	swait.ge [sflag:s28], $0xC80  }
0x184: {  	[sflag:s28] =	ssyncset.done $0x0  }
0x185: {  	s22 =	rddreg [dreg:$0x17];
	[sflag:s28] =	ssyncadd.s32 $0xFFFFF380  }
0x186: {  	[hbm4b:s22+s7] =	stream.linear.scatter [tilespmem:s29], [sflag:$0x5], $0xC80, $0x38;
	[tilespmem:$0x18528] =	vst v63  }
0x187: {  	_ =	swait.ge [sflag:s28], $0xC80  }
0x188: {  	[sflag:s28] =	ssyncset.done $0x0  }
0x189: {  	s23 =	rddreg [dreg:$0x18];
	[sflag:s28] =	ssyncadd.s32 $0xFFFFF380  }
0x18a: {  	[hbm4b:s23+s7] =	stream.linear.scatter [tilespmem:s30], [sflag:$0x5], $0xC80, $0x38;
	[tilespmem:$0x18528] =	vst v63  }
0x18b: {  	_ =	swait.ge [sflag:s28], $0xC80  }
0x18c: {  	s19 =	sadd.s32 $0x1, s19;
	s31 =	rddreg [dreg:$0x11]  }
0x18d: {  	p1 =	sne.s32 s19, s31  }
.Ltmp9:
0x18e: {  	_ = 	snop;
	(pc) =	sbr.rel @p1 .LBB2_1-.Ltmp9, $3  }
0x18f: {  	_ =	sdelay $0x1  }
0x190: {  	[sflag:s28] =	ssyncset.done $0x0  }
0x191: {  	[sflag:s28] =	ssyncadd.s32 $0xFFFFF380  }
0x192: {  	_ =	sfence.sel $0x180000  }
0x193: {  	[bflag:$0x0] =	sbarrier.arrive $0xFFFF  }
0x194: {  	_ =	strace $0x90000047  }
0x195: {  	[bflag:$0x2] =	sbarrier.arrive $0xFFFF  }
0x196: {  	s0 =	rddreg [dreg:$0x8]  }
0x197: {  	s0 =	sadd.s32 @!p0 $0x100000, s0  }
0x198: {  	[sflag:s0] =	ssyncadd.tile.s32 @!p0 $0x1;
	_ =	shalt  }
.Lfunc_end2:
_tile_overlayer_lowered:
.L_overlay_start_2:
0x199: {  	(tag) =	ssettag $0x2  }
0x19a: {  	s0 =	rddreg [dreg:$0x0];
	s2 =	stileid.u32  }
0x19b: {  	s1 =	rddreg [dreg:$0x1];
	p0 =	sne.s32 s2, $0x0  }
0x19c: {  	s3 =	rddreg [dreg:$0x2];
	[bflag:$0x3] =	sbarrier.arrive $0xFFFF;
	s2 =	simm.s32 @!p0 $0x1C05  }
0x19d: {  	[timem:s3], [sflag:s2] =	dma.local @!p0 [hbm:s0], s1  }
0x19e: {  	s0 =	simm.s32 @!p0 $0x5  }
0x19f: {  	_ =	swait.ge @!p0 [sflag:s0], s1  }
0x1a0: {  	s1 =	ssub.s32 @!p0 $0x0, s1;
	[sflag:s0] =	ssyncset.done @!p0 $0x0  }
0x1a1: {  	[sflag:s0] =	ssyncadd.s32 @!p0 s1  }
0x1a2: {  	[bflag:$0x3] =	sbarrier.arrive $0xFFFF  }
0x1a3: {  	_ =	shalt  }

</sc_bundles>
